<compile_context>
chip_gen: v7x
topology: tpu7x:2x2x1
jax: 0.10.2.dev20260603
libtpu: 0.0.44.dev20260713+nightly
codegen_flags: <defaults>
</compile_context>

<pallas_src>
import random

import numpy as np
import jax
import jax.numpy as jnp
from jax import lax
from jax.experimental import pallas as pl
from jax.experimental.pallas import tpu as pltpu
from jax.experimental.pallas import tpu_sc as plsc

N = 2000
N_PAIRS = N * (N - 1) // 2
M = 32000
E = 2 * M
N_NEG_MIN = N_PAIRS - M

_rng = random.Random(0)
_pool_np = np.array([_rng.getrandbits(32) >> 11 for _ in range(131072)],
                    dtype=np.int64)
_seen = set()
_u_list = []
for _v in _pool_np:
    _v = int(_v)
    if _v in _seen:
        continue
    _seen.add(_v)
    if _v < N_PAIRS:
        _u_list.append(_v)
_U = np.array(_u_list, dtype=np.int32)
_T_MAX = int(np.searchsorted(np.cumsum(_U < N_NEG_MIN), M, side="left")) + 1
_P_CONST = _U[:_T_MAX]

try:
    _info = plsc.get_sparse_core_info()
    _NC, _NS = _info.num_cores, _info.num_subcores
except Exception:
    _NC, _NS = 2, 16
NW = _NC * _NS
QPW = M // NW
CB = 200
D = 128



def _sc_main_kernel(x_hbm, fr_hbm, bk_hbm, du_hbm, ch_hbm, out_hbm,
                    du_v, ch_v, ni_v, nj_v, ia_v, ib_v,
                    rows_a, rows_b, scores_v, sem):
    wid = lax.axis_index("s") * _NC + lax.axis_index("c")
    lane = lax.iota(jnp.int32, 16)

    pltpu.sync_copy(du_hbm, du_v)
    pltpu.sync_copy(ch_hbm.at[pl.ds(wid * QPW, QPW)], ch_v)
    pltpu.sync_copy(fr_hbm.at[pl.ds(wid * QPW, QPW)], ia_v)
    pltpu.sync_copy(bk_hbm.at[pl.ds(wid * QPW, QPW)], ib_v)

    def group_body(g, carry):
        start = jnp.minimum(g * 16, QPW - 16)
        ch = ch_v[pl.ds(start, 16)]

        def bs_body(_, c2):
            lo, hi = c2
            mid = (lo + hi) // 2
            v = plsc.load_gather(du_v, [mid])
            cond = v > ch + mid
            return jnp.where(cond, lo, mid + 1), jnp.where(cond, mid, hi)

        lo0 = jnp.zeros((16,), jnp.int32)
        hi0 = jnp.full((16,), M, jnp.int32)
        _, kstar = lax.fori_loop(0, 16, bs_body, (lo0, hi0))
        pair = ch + kstar

        def row_body(_, c2):
            lo, hi = c2
            mid = (lo + hi + 1) // 2
            off = mid * (N - 1) - (mid * (mid - 1)) // 2
            cond = off <= pair
            return jnp.where(cond, mid, lo), jnp.where(cond, hi, mid - 1)

        lo0 = jnp.zeros((16,), jnp.int32)
        hi0 = jnp.full((16,), N - 2, jnp.int32)
        ni, _ = lax.fori_loop(0, 11, row_body, (lo0, hi0))
        nj = pair - (ni * (N - 1) - (ni * (ni - 1)) // 2) + ni + 1
        ni_v[pl.ds(start, 16)] = ni
        nj_v[pl.ds(start, 16)] = nj
        return carry

    lax.fori_loop(0, (QPW + 15) // 16, group_body, 0)

    def score_chunk(a_idx, b_idx, a_off, b_off, out_base):
        pltpu.async_copy(x_hbm.at[a_idx.at[pl.ds(a_off, CB)]], rows_a,
                         sem).wait()
        pltpu.async_copy(x_hbm.at[b_idx.at[pl.ds(b_off, CB)]], rows_b,
                         sem).wait()

        def cgroup_body(g, carry2):
            start = jnp.minimum(g * 16, CB - 16)

            def lane_body(r, vec):
                e = start + r

                def dim_body(k, acc):
                    a = rows_a[e, pl.ds(k * 16, 16)]
                    b = rows_b[e, pl.ds(k * 16, 16)]
                    return acc + a * b

                acc = lax.fori_loop(0, D // 16, dim_body,
                                    jnp.zeros((16,), jnp.float32))
                s = jnp.sum(acc)
                return jnp.where(lane == r, s, vec)

            vec = lax.fori_loop(0, 16, lane_body,
                                jnp.zeros((16,), jnp.float32))
            scores_v[pl.ds(start, 16)] = vec
            return carry2

        lax.fori_loop(0, (CB + 15) // 16, cgroup_body, 0)
        pltpu.sync_copy(scores_v, out_hbm.at[pl.ds(out_base, CB)])

    def pos_chunk(c, carry):
        score_chunk(ia_v, ib_v, c * CB, c * CB, wid * QPW + c * CB)
        return carry

    lax.fori_loop(0, QPW // CB, pos_chunk, 0)

    def neg_chunk(c, carry):
        score_chunk(ni_v, nj_v, c * CB, c * CB, M + wid * QPW + c * CB)
        return carry

    lax.fori_loop(0, QPW // CB, neg_chunk, 0)


def _sc_scores(x, front, back, du, chosen):
    mesh = plsc.VectorSubcoreMesh(core_axis_name="c", subcore_axis_name="s")
    return pl.kernel(
        _sc_main_kernel,
        mesh=mesh,
        compiler_params=pltpu.CompilerParams(needs_layout_passes=False),
        out_type=jax.ShapeDtypeStruct((E,), jnp.float32),
        scratch_types=[
            pltpu.VMEM((M,), jnp.int32),
            pltpu.VMEM((QPW,), jnp.int32),
            pltpu.VMEM((QPW,), jnp.int32),
            pltpu.VMEM((QPW,), jnp.int32),
            pltpu.VMEM((QPW,), jnp.int32),
            pltpu.VMEM((QPW,), jnp.int32),
            pltpu.VMEM((CB, D), jnp.float32),
            pltpu.VMEM((CB, D), jnp.float32),
            pltpu.VMEM((CB,), jnp.float32),
            pltpu.SemaphoreType.DMA,
        ],
    )(x, front, back, du, chosen)




def _tc_loss_kernel(s_ref, o_ref):
    s = s_ref[...]
    row = lax.broadcasted_iota(jnp.int32, s.shape, 0)
    z = jnp.where(row < (M // 128), -s, s)
    sp = jnp.maximum(z, 0.0) + jnp.log1p(jnp.exp(-jnp.abs(z)))
    total = jnp.sum(sp) * (1.0 / (float(M) * float(M)))
    o_ref[...] = jnp.broadcast_to(total, (1, 1))


def _tc_loss(scores):
    s2 = scores.reshape(E // 128, 128)
    out = pl.pallas_call(
        _tc_loss_kernel,
        out_shape=jax.ShapeDtypeStruct((1, 1), jnp.float32),
    )(s2)
    return out[0, 0]




def _tri_offset(i):
    return i * (N - 1) - (i * (i - 1)) // 2


def _build_neg_indices(front, back):
    ok = front < back
    qi = jnp.where(ok, front, 0)
    qj = jnp.where(ok, back, 1)
    q = jnp.where(ok, _tri_offset(qi) + qj - qi - 1, N_PAIRS)
    b_sorted = jnp.sort(q)
    uniq = jnp.concatenate([
        jnp.ones((1,), jnp.bool_),
        b_sorted[1:] != b_sorted[:-1],
    ]) & (b_sorted < N_PAIRS)
    c_pref = jnp.cumsum(uniq.astype(jnp.int32))
    n_neg = N_PAIRS - c_pref[-1]

    p_const = jnp.asarray(_P_CONST)
    flags = p_const < n_neg
    pos = jnp.cumsum(flags.astype(jnp.int32)) - 1
    target = jnp.where(flags & (pos < M), pos, M)
    chosen = jnp.zeros((M + 1,), jnp.int32).at[target].set(
        p_const, mode="drop")[:M]

    rank = c_pref - 1
    du = jnp.full((M,), 1 << 30, jnp.int32).at[
        jnp.where(uniq, rank, M)].set(b_sorted, mode="drop")

    return du, chosen


def kernel(x, edge_index):
    front = edge_index[0, ::2]
    back = edge_index[1, ::2]
    du, chosen = _build_neg_indices(front, back)
    scores = _sc_scores(x, front, back, du, chosen)
    return _tc_loss(scores)

# --- scband reference (transcript-rebuilt; emitter-appended) ---
"""Pipeline reference for scband-graph-decoder-41016937677245 (READ-ONLY COPY).

The authoritative reference and input builder live on the scoring server;
editing this copy changes nothing except your own understanding.
"""

import jax, jax.numpy as jnp
import numpy as np
import random


_MT_RNG = random.Random(0)
_MT_POOL = np.array([_MT_RNG.getrandbits(32) >> 11 for _ in range(131072)], dtype=np.int32)


def _build_negative_edges(n_nodes, edge_index):
    m = edge_index.shape[1] // 2
    front = edge_index[0, ::2]
    back = edge_index[1, ::2]
    adj = jnp.zeros((n_nodes, n_nodes), dtype=bool).at[front, back].set(True)
    iu0_np, iu1_np = np.triu_indices(n_nodes, 1)
    iu0 = jnp.asarray(iu0_np.astype(np.int32))
    iu1 = jnp.asarray(iu1_np.astype(np.int32))
    valid = ~adj[iu0, iu1]
    n_neg = jnp.sum(valid.astype(jnp.int32))
    csum = jnp.cumsum(valid.astype(jnp.int32))
    pool = jnp.asarray(_MT_POOL)
    n_pairs = iu0.shape[0]

    def pick(i, carry):
        ptr, selected, chosen = carry

        def rejected(p):
            j = pool[p]
            return (j >= n_neg) | selected[jnp.minimum(j, n_pairs - 1)]

        ptr = jax.lax.while_loop(rejected, lambda p: p + 1, ptr)
        j = pool[ptr]
        selected = selected.at[j].set(True)
        chosen = chosen.at[i].set(j)
        return ptr + 1, selected, chosen

    init = (jnp.int32(0), jnp.zeros((n_pairs,), dtype=bool), jnp.zeros((m,), dtype=jnp.int32))
    _, _, chosen = jax.lax.fori_loop(0, m, pick, init)
    pair_idx = jnp.searchsorted(csum, chosen + 1, side="left")
    return jnp.stack([iu0[pair_idx], iu1[pair_idx]]).astype(jnp.int32)


def setup_inputs(seed: int = 0) -> dict:
    key = jax.random.key(seed)
    k1, k2 = jax.random.split(key)
    x = jax.random.normal(k1, (2000, 128), dtype=jnp.float32)
    edge_index = jax.random.randint(k2, (2, 64000), 0, 2000).astype(jnp.int32)
    return {"x": x, "edge_index": edge_index}


def reference(x, edge_index):
    positive_score = jnp.sum(x[edge_index[0, ::2]] * x[edge_index[1, ::2]], axis=1)
    negative_edge_index = _build_negative_edges(x.shape[0], edge_index)
    negative_score = jnp.sum(x[negative_edge_index[0]] * x[negative_edge_index[1]], axis=1)
    # BCEWithLogitsLoss (mean reduction): target=1 -> softplus(-s); target=0 -> softplus(s)
    bce_pos = jnp.mean(jax.nn.softplus(-positive_score))
    bce_neg = jnp.mean(jax.nn.softplus(negative_score))
    self_loss = jnp.sum(bce_pos + bce_neg) / negative_edge_index.shape[1]
    return self_loss

if __name__ == "__main__":
    import jax
    _d = setup_inputs()
    print(jax.jit(kernel)(*tuple(_d.values())))

</pallas_src>

<mosaic_0001>
#map = affine_map<(d0, d1) -> (0, 0)>
#map1 = affine_map<(d0, d1) -> (0)>
module attributes {stable_mosaic.version = 14 : i64} {
  func.func @_sc_main_kernel(%arg0: i32, %arg1: i32, %arg2: memref<2000x128xf32, #tpu.memory_space<hbm>>, %arg3: memref<32000xi32, #tpu.memory_space<hbm>>, %arg4: memref<32000xi32, #tpu.memory_space<hbm>>, %arg5: memref<32000xi32, #tpu.memory_space<hbm>>, %arg6: memref<32000xi32, #tpu.memory_space<hbm>>, %arg7: memref<64000xf32, #tpu.memory_space<hbm>>, %arg8: memref<32000xi32, #tpu.memory_space<vmem>>, %arg9: memref<1000xi32, #tpu.memory_space<vmem>>, %arg10: memref<1000xi32, #tpu.memory_space<vmem>>, %arg11: memref<1000xi32, #tpu.memory_space<vmem>>, %arg12: memref<1000xi32, #tpu.memory_space<vmem>>, %arg13: memref<1000xi32, #tpu.memory_space<vmem>>, %arg14: memref<200x128xf32, #tpu.memory_space<vmem>>, %arg15: memref<200x128xf32, #tpu.memory_space<vmem>>, %arg16: memref<200xf32, #tpu.memory_space<vmem>>, %arg17: memref<!tpu.dma_semaphore, #tpu.memory_space<semaphore_mem>>) attributes {dimension_semantics = [#tpu.dimension_semantics<core_parallel>, #tpu.dimension_semantics<subcore_parallel>], iteration_bounds = array<i64: 2, 16>, scalar_prefetch = 0 : i64, scratch_operands = 10 : i64, tpu.core_type = #tpu.core_type<sc_vector_subcore>, window_params = [{transform_indices = #map}, {transform_indices = #map1}, {transform_indices = #map1}, {transform_indices = #map1}, {transform_indices = #map1}, {transform_indices = #map1}]} {
    %mul3A = arith.constant 2 : i32
    %mul3A_0 = arith.muli %arg1, %mul3A : i32
    %add3A = arith.addi %mul3A_0, %arg0 : i32
    %iota3A = tpu.iota {dimensions = array<i32: 0>} : vector<16xi32>
    "tpu.region"() ({
      %run_scoped3A = tpu.sem_alloc : memref<!tpu.dma_semaphore, #tpu.memory_space<semaphore_mem>>
      tpu.enqueue_dma source(%arg5 : memref<32000xi32, #tpu.memory_space<hbm>>) target(%arg8 : memref<32000xi32, #tpu.memory_space<vmem>>) target_semaphore(%run_scoped3A : memref<!tpu.dma_semaphore, #tpu.memory_space<semaphore_mem>>)
      tpu.wait_dma2 semaphore(%run_scoped3A : memref<!tpu.dma_semaphore, #tpu.memory_space<semaphore_mem>>) src(%arg5 : memref<32000xi32, #tpu.memory_space<hbm>>) dst(%arg8 : memref<32000xi32, #tpu.memory_space<vmem>>)
      tpu.yield
    }) : () -> ()
    %mul3A_1 = arith.constant 1000 : i32
    %mul3A_2 = arith.muli %add3A, %mul3A_1 : i32
    "tpu.region"() ({
      %run_scoped3A = tpu.sem_alloc : memref<!tpu.dma_semaphore, #tpu.memory_space<semaphore_mem>>
      %dma_start3A = tpu.memref_slice %arg6[%mul3A_2] : memref<32000xi32, #tpu.memory_space<hbm>> -> memref<1000xi32, #tpu.memory_space<hbm>>
      %dma_start3A_24 = tpu.memref_slice %arg6[%mul3A_2] : memref<32000xi32, #tpu.memory_space<hbm>> -> memref<1000xi32, #tpu.memory_space<hbm>>
      tpu.enqueue_dma source(%dma_start3A_24 : memref<1000xi32, #tpu.memory_space<hbm>>) target(%arg9 : memref<1000xi32, #tpu.memory_space<vmem>>) target_semaphore(%run_scoped3A : memref<!tpu.dma_semaphore, #tpu.memory_space<semaphore_mem>>)
      %dma_wait3A = tpu.memref_slice %arg6[%mul3A_2] : memref<32000xi32, #tpu.memory_space<hbm>> -> memref<1000xi32, #tpu.memory_space<hbm>>
      %dma_wait3A_25 = tpu.memref_slice %arg6[%mul3A_2] : memref<32000xi32, #tpu.memory_space<hbm>> -> memref<1000xi32, #tpu.memory_space<hbm>>
      tpu.wait_dma2 semaphore(%run_scoped3A : memref<!tpu.dma_semaphore, #tpu.memory_space<semaphore_mem>>) src(%dma_wait3A_25 : memref<1000xi32, #tpu.memory_space<hbm>>) dst(%arg9 : memref<1000xi32, #tpu.memory_space<vmem>>)
      tpu.yield
    }) : () -> ()
    %mul3A_3 = arith.constant 1000 : i32
    %mul3A_4 = arith.muli %add3A, %mul3A_3 : i32
    "tpu.region"() ({
      %run_scoped3A = tpu.sem_alloc : memref<!tpu.dma_semaphore, #tpu.memory_space<semaphore_mem>>
      %dma_start3A = tpu.memref_slice %arg3[%mul3A_4] : memref<32000xi32, #tpu.memory_space<hbm>> -> memref<1000xi32, #tpu.memory_space<hbm>>
      %dma_start3A_24 = tpu.memref_slice %arg3[%mul3A_4] : memref<32000xi32, #tpu.memory_space<hbm>> -> memref<1000xi32, #tpu.memory_space<hbm>>
      tpu.enqueue_dma source(%dma_start3A_24 : memref<1000xi32, #tpu.memory_space<hbm>>) target(%arg12 : memref<1000xi32, #tpu.memory_space<vmem>>) target_semaphore(%run_scoped3A : memref<!tpu.dma_semaphore, #tpu.memory_space<semaphore_mem>>)
      %dma_wait3A = tpu.memref_slice %arg3[%mul3A_4] : memref<32000xi32, #tpu.memory_space<hbm>> -> memref<1000xi32, #tpu.memory_space<hbm>>
      %dma_wait3A_25 = tpu.memref_slice %arg3[%mul3A_4] : memref<32000xi32, #tpu.memory_space<hbm>> -> memref<1000xi32, #tpu.memory_space<hbm>>
      tpu.wait_dma2 semaphore(%run_scoped3A : memref<!tpu.dma_semaphore, #tpu.memory_space<semaphore_mem>>) src(%dma_wait3A_25 : memref<1000xi32, #tpu.memory_space<hbm>>) dst(%arg12 : memref<1000xi32, #tpu.memory_space<vmem>>)
      tpu.yield
    }) : () -> ()
    %mul3A_5 = arith.constant 1000 : i32
    %mul3A_6 = arith.muli %add3A, %mul3A_5 : i32
    "tpu.region"() ({
      %run_scoped3A = tpu.sem_alloc : memref<!tpu.dma_semaphore, #tpu.memory_space<semaphore_mem>>
      %dma_start3A = tpu.memref_slice %arg4[%mul3A_6] : memref<32000xi32, #tpu.memory_space<hbm>> -> memref<1000xi32, #tpu.memory_space<hbm>>
      %dma_start3A_24 = tpu.memref_slice %arg4[%mul3A_6] : memref<32000xi32, #tpu.memory_space<hbm>> -> memref<1000xi32, #tpu.memory_space<hbm>>
      tpu.enqueue_dma source(%dma_start3A_24 : memref<1000xi32, #tpu.memory_space<hbm>>) target(%arg13 : memref<1000xi32, #tpu.memory_space<vmem>>) target_semaphore(%run_scoped3A : memref<!tpu.dma_semaphore, #tpu.memory_space<semaphore_mem>>)
      %dma_wait3A = tpu.memref_slice %arg4[%mul3A_6] : memref<32000xi32, #tpu.memory_space<hbm>> -> memref<1000xi32, #tpu.memory_space<hbm>>
      %dma_wait3A_25 = tpu.memref_slice %arg4[%mul3A_6] : memref<32000xi32, #tpu.memory_space<hbm>> -> memref<1000xi32, #tpu.memory_space<hbm>>
      tpu.wait_dma2 semaphore(%run_scoped3A : memref<!tpu.dma_semaphore, #tpu.memory_space<semaphore_mem>>) src(%dma_wait3A_25 : memref<1000xi32, #tpu.memory_space<hbm>>) dst(%arg13 : memref<1000xi32, #tpu.memory_space<vmem>>)
      tpu.yield
    }) : () -> ()
    %scan3A = arith.constant 0 : i32
    %scan3A_7 = arith.constant 0 : i32
    %scan3A_8 = arith.constant 63 : i32
    %scan3A_9 = arith.addi %scan3A_7, %scan3A_8 : i32
    %scan3A_10 = arith.constant 1 : i32
    scf.for %scan3A_24 = %scan3A_7 to %scan3A_9 step %scan3A_10  : i32 {
      %mul3A_25 = arith.constant 16 : i32
      %mul3A_26 = arith.muli %scan3A_24, %mul3A_25 : i32
      %min3A = arith.constant 984 : i32
      %min3A_27 = arith.minsi %mul3A_26, %min3A : i32
      %get3A = arith.index_cast %min3A_27 : i32 to index
      %get3A_28 = tpu.vector_load %arg9[%get3A] {strides = array<i32>} : memref<1000xi32, #tpu.memory_space<vmem>>, vector<16xi32>,
      %broadcast_in_dim3A = arith.constant 0 : i32
      %broadcast_in_dim3A_29 = vector.broadcast %broadcast_in_dim3A : i32 to vector<16xi32>
      %broadcast_in_dim3A_30 = arith.constant 32000 : i32
      %broadcast_in_dim3A_31 = vector.broadcast %broadcast_in_dim3A_30 : i32 to vector<16xi32>
      %scan3A_32 = arith.constant 0 : i32
      %scan3A_33 = arith.constant 16 : i32
      %scan3A_34 = arith.addi %scan3A_32, %scan3A_33 : i32
      %scan3A_35 = arith.constant 1 : i32
      %scan3A_36:2 = scf.for %scan3A_88 = %scan3A_32 to %scan3A_34 step %scan3A_35 iter_args(%scan3A_89 = %broadcast_in_dim3A_29, %scan3A_90 = %broadcast_in_dim3A_31) -> (vector<16xi32>, vector<16xi32>)  : i32 {
        %add3A_91 = arith.addi %scan3A_89, %scan3A_90 : vector<16xi32>
        %jit3A_92 = arith.constant 2 : i32
        %div3A_93 = vector.broadcast %jit3A_92 : i32 to vector<16xi32>
        %div3A_94 = arith.divsi %add3A_91, %div3A_93 : vector<16xi32>
        %sign3A_95 = arith.constant 0 : i32
        %sign3A_96 = vector.broadcast %sign3A_95 : i32 to vector<16xi32>
        %sign3A_97 = arith.cmpi sgt, %add3A_91, %sign3A_96 : vector<16xi32>
        %sign3A_98 = arith.extui %sign3A_97 : vector<16xi1> to vector<16xi32>
        %sign3A_99 = arith.constant 0 : i32
        %sign3A_100 = vector.broadcast %sign3A_99 : i32 to vector<16xi32>
        %sign3A_101 = arith.cmpi slt, %add3A_91, %sign3A_100 : vector<16xi32>
        %sign3A_102 = arith.extui %sign3A_101 : vector<16xi1> to vector<16xi32>
        %sign3A_103 = arith.subi %sign3A_98, %sign3A_102 : vector<16xi32>
        %sign3A_104 = arith.constant 0 : i32
        %sign3A_105 = arith.cmpi sgt, %jit3A_92, %sign3A_104 : i32
        %sign3A_106 = arith.extui %sign3A_105 : i1 to i32
        %sign3A_107 = arith.constant 0 : i32
        %sign3A_108 = arith.cmpi slt, %jit3A_92, %sign3A_107 : i32
        %sign3A_109 = arith.extui %sign3A_108 : i1 to i32
        %sign3A_110 = arith.subi %sign3A_106, %sign3A_109 : i32
        %ne3A_111 = vector.broadcast %sign3A_110 : i32 to vector<16xi32>
        %ne3A_112 = arith.cmpi ne, %sign3A_103, %ne3A_111 : vector<16xi32>
        %rem3A_113 = vector.broadcast %jit3A_92 : i32 to vector<16xi32>
        %rem3A_114 = arith.remsi %add3A_91, %rem3A_113 : vector<16xi32>
        %ne3A_115 = arith.constant 0 : i32
        %ne3A_116 = vector.broadcast %ne3A_115 : i32 to vector<16xi32>
        %ne3A_117 = arith.cmpi ne, %rem3A_114, %ne3A_116 : vector<16xi32>
        %and3A_118 = arith.andi %ne3A_112, %ne3A_117 : vector<16xi1>
        %sub3A_119 = arith.constant 1 : i32
        %sub3A_120 = vector.broadcast %sub3A_119 : i32 to vector<16xi32>
        %sub3A_121 = arith.subi %div3A_94, %sub3A_120 : vector<16xi32>
        %select_n3A_122 = arith.select %and3A_118, %sub3A_121, %div3A_94 : vector<16xi1>, vector<16xi32>
        %gather3A = tpu.vector_load_idx %arg8[%select_n3A_122] : memref<32000xi32, #tpu.memory_space<vmem>>[vector<16xi32>], vector<16xi32>,
        %add3A_123 = arith.addi %get3A_28, %select_n3A_122 : vector<16xi32>
        %gt3A = arith.cmpi sgt, %gather3A, %add3A_123 : vector<16xi32>
        %add3A_124 = arith.constant 1 : i32
        %add3A_125 = vector.broadcast %add3A_124 : i32 to vector<16xi32>
        %add3A_126 = arith.addi %select_n3A_122, %add3A_125 : vector<16xi32>
        %select_n3A_127 = arith.select %gt3A, %scan3A_89, %add3A_126 : vector<16xi1>, vector<16xi32>
        %select_n3A_128 = arith.select %gt3A, %select_n3A_122, %scan3A_90 : vector<16xi1>, vector<16xi32>
        scf.yield %select_n3A_127, %select_n3A_128 : vector<16xi32>, vector<16xi32>
      }
      %scan3A_37 = arith.constant 16 : i32
      %add3A_38 = arith.addi %get3A_28, %scan3A_36#1 : vector<16xi32>
      %broadcast_in_dim3A_39 = arith.constant 0 : i32
      %broadcast_in_dim3A_40 = vector.broadcast %broadcast_in_dim3A_39 : i32 to vector<16xi32>
      %broadcast_in_dim3A_41 = arith.constant 1998 : i32
      %broadcast_in_dim3A_42 = vector.broadcast %broadcast_in_dim3A_41 : i32 to vector<16xi32>
      %scan3A_43 = arith.constant 0 : i32
      %scan3A_44 = arith.constant 11 : i32
      %scan3A_45 = arith.addi %scan3A_43, %scan3A_44 : i32
      %scan3A_46 = arith.constant 1 : i32
      %scan3A_47:2 = scf.for %scan3A_88 = %scan3A_43 to %scan3A_45 step %scan3A_46 iter_args(%scan3A_89 = %broadcast_in_dim3A_40, %scan3A_90 = %broadcast_in_dim3A_42) -> (vector<16xi32>, vector<16xi32>)  : i32 {
        %add3A_91 = arith.addi %scan3A_89, %scan3A_90 : vector<16xi32>
        %add3A_92 = arith.constant 1 : i32
        %add3A_93 = vector.broadcast %add3A_92 : i32 to vector<16xi32>
        %add3A_94 = arith.addi %add3A_91, %add3A_93 : vector<16xi32>
        %jit3A_95 = arith.constant 2 : i32
        %div3A_96 = vector.broadcast %jit3A_95 : i32 to vector<16xi32>
        %div3A_97 = arith.divsi %add3A_94, %div3A_96 : vector<16xi32>
        %sign3A_98 = arith.constant 0 : i32
        %sign3A_99 = vector.broadcast %sign3A_98 : i32 to vector<16xi32>
        %sign3A_100 = arith.cmpi sgt, %add3A_94, %sign3A_99 : vector<16xi32>
        %sign3A_101 = arith.extui %sign3A_100 : vector<16xi1> to vector<16xi32>
        %sign3A_102 = arith.constant 0 : i32
        %sign3A_103 = vector.broadcast %sign3A_102 : i32 to vector<16xi32>
        %sign3A_104 = arith.cmpi slt, %add3A_94, %sign3A_103 : vector<16xi32>
        %sign3A_105 = arith.extui %sign3A_104 : vector<16xi1> to vector<16xi32>
        %sign3A_106 = arith.subi %sign3A_101, %sign3A_105 : vector<16xi32>
        %sign3A_107 = arith.constant 0 : i32
        %sign3A_108 = arith.cmpi sgt, %jit3A_95, %sign3A_107 : i32
        %sign3A_109 = arith.extui %sign3A_108 : i1 to i32
        %sign3A_110 = arith.constant 0 : i32
        %sign3A_111 = arith.cmpi slt, %jit3A_95, %sign3A_110 : i32
        %sign3A_112 = arith.extui %sign3A_111 : i1 to i32
        %sign3A_113 = arith.subi %sign3A_109, %sign3A_112 : i32
        %ne3A_114 = vector.broadcast %sign3A_113 : i32 to vector<16xi32>
        %ne3A_115 = arith.cmpi ne, %sign3A_106, %ne3A_114 : vector<16xi32>
        %rem3A_116 = vector.broadcast %jit3A_95 : i32 to vector<16xi32>
        %rem3A_117 = arith.remsi %add3A_94, %rem3A_116 : vector<16xi32>
        %ne3A_118 = arith.constant 0 : i32
        %ne3A_119 = vector.broadcast %ne3A_118 : i32 to vector<16xi32>
        %ne3A_120 = arith.cmpi ne, %rem3A_117, %ne3A_119 : vector<16xi32>
        %and3A_121 = arith.andi %ne3A_115, %ne3A_120 : vector<16xi1>
        %sub3A_122 = arith.constant 1 : i32
        %sub3A_123 = vector.broadcast %sub3A_122 : i32 to vector<16xi32>
        %sub3A_124 = arith.subi %div3A_97, %sub3A_123 : vector<16xi32>
        %select_n3A_125 = arith.select %and3A_121, %sub3A_124, %div3A_97 : vector<16xi1>, vector<16xi32>
        %mul3A_126 = arith.constant 1999 : i32
        %mul3A_127 = vector.broadcast %mul3A_126 : i32 to vector<16xi32>
        %mul3A_128 = arith.muli %select_n3A_125, %mul3A_127 : vector<16xi32>
        %sub3A_129 = arith.constant 1 : i32
        %sub3A_130 = vector.broadcast %sub3A_129 : i32 to vector<16xi32>
        %sub3A_131 = arith.subi %select_n3A_125, %sub3A_130 : vector<16xi32>
        %mul3A_132 = arith.muli %select_n3A_125, %sub3A_131 : vector<16xi32>
        %jit3A_133 = arith.constant 2 : i32
        %div3A_134 = vector.broadcast %jit3A_133 : i32 to vector<16xi32>
        %div3A_135 = arith.divsi %mul3A_132, %div3A_134 : vector<16xi32>
        %sign3A_136 = arith.constant 0 : i32
        %sign3A_137 = vector.broadcast %sign3A_136 : i32 to vector<16xi32>
        %sign3A_138 = arith.cmpi sgt, %mul3A_132, %sign3A_137 : vector<16xi32>
        %sign3A_139 = arith.extui %sign3A_138 : vector<16xi1> to vector<16xi32>
        %sign3A_140 = arith.constant 0 : i32
        %sign3A_141 = vector.broadcast %sign3A_140 : i32 to vector<16xi32>
        %sign3A_142 = arith.cmpi slt, %mul3A_132, %sign3A_141 : vector<16xi32>
        %sign3A_143 = arith.extui %sign3A_142 : vector<16xi1> to vector<16xi32>
        %sign3A_144 = arith.subi %sign3A_139, %sign3A_143 : vector<16xi32>
        %sign3A_145 = arith.constant 0 : i32
        %sign3A_146 = arith.cmpi sgt, %jit3A_133, %sign3A_145 : i32
        %sign3A_147 = arith.extui %sign3A_146 : i1 to i32
        %sign3A_148 = arith.constant 0 : i32
        %sign3A_149 = arith.cmpi slt, %jit3A_133, %sign3A_148 : i32
        %sign3A_150 = arith.extui %sign3A_149 : i1 to i32
        %sign3A_151 = arith.subi %sign3A_147, %sign3A_150 : i32
        %ne3A_152 = vector.broadcast %sign3A_151 : i32 to vector<16xi32>
        %ne3A_153 = arith.cmpi ne, %sign3A_144, %ne3A_152 : vector<16xi32>
        %rem3A_154 = vector.broadcast %jit3A_133 : i32 to vector<16xi32>
        %rem3A_155 = arith.remsi %mul3A_132, %rem3A_154 : vector<16xi32>
        %ne3A_156 = arith.constant 0 : i32
        %ne3A_157 = vector.broadcast %ne3A_156 : i32 to vector<16xi32>
        %ne3A_158 = arith.cmpi ne, %rem3A_155, %ne3A_157 : vector<16xi32>
        %and3A_159 = arith.andi %ne3A_153, %ne3A_158 : vector<16xi1>
        %sub3A_160 = arith.constant 1 : i32
        %sub3A_161 = vector.broadcast %sub3A_160 : i32 to vector<16xi32>
        %sub3A_162 = arith.subi %div3A_135, %sub3A_161 : vector<16xi32>
        %select_n3A_163 = arith.select %and3A_159, %sub3A_162, %div3A_135 : vector<16xi1>, vector<16xi32>
        %sub3A_164 = arith.subi %mul3A_128, %select_n3A_163 : vector<16xi32>
        %le3A = arith.cmpi sle, %sub3A_164, %add3A_38 : vector<16xi32>
        %select_n3A_165 = arith.select %le3A, %select_n3A_125, %scan3A_89 : vector<16xi1>, vector<16xi32>
        %sub3A_166 = arith.constant 1 : i32
        %sub3A_167 = vector.broadcast %sub3A_166 : i32 to vector<16xi32>
        %sub3A_168 = arith.subi %select_n3A_125, %sub3A_167 : vector<16xi32>
        %select_n3A_169 = arith.select %le3A, %scan3A_90, %sub3A_168 : vector<16xi1>, vector<16xi32>
        scf.yield %select_n3A_165, %select_n3A_169 : vector<16xi32>, vector<16xi32>
      }
      %scan3A_48 = arith.constant 11 : i32
      %mul3A_49 = arith.constant 1999 : i32
      %mul3A_50 = vector.broadcast %mul3A_49 : i32 to vector<16xi32>
      %mul3A_51 = arith.muli %scan3A_47#0, %mul3A_50 : vector<16xi32>
      %sub3A = arith.constant 1 : i32
      %sub3A_52 = vector.broadcast %sub3A : i32 to vector<16xi32>
      %sub3A_53 = arith.subi %scan3A_47#0, %sub3A_52 : vector<16xi32>
      %mul3A_54 = arith.muli %scan3A_47#0, %sub3A_53 : vector<16xi32>
      %jit3A = arith.constant 2 : i32
      %div3A = vector.broadcast %jit3A : i32 to vector<16xi32>
      %div3A_55 = arith.divsi %mul3A_54, %div3A : vector<16xi32>
      %sign3A = arith.constant 0 : i32
      %sign3A_56 = vector.broadcast %sign3A : i32 to vector<16xi32>
      %sign3A_57 = arith.cmpi sgt, %mul3A_54, %sign3A_56 : vector<16xi32>
      %sign3A_58 = arith.extui %sign3A_57 : vector<16xi1> to vector<16xi32>
      %sign3A_59 = arith.constant 0 : i32
      %sign3A_60 = vector.broadcast %sign3A_59 : i32 to vector<16xi32>
      %sign3A_61 = arith.cmpi slt, %mul3A_54, %sign3A_60 : vector<16xi32>
      %sign3A_62 = arith.extui %sign3A_61 : vector<16xi1> to vector<16xi32>
      %sign3A_63 = arith.subi %sign3A_58, %sign3A_62 : vector<16xi32>
      %sign3A_64 = arith.constant 0 : i32
      %sign3A_65 = arith.cmpi sgt, %jit3A, %sign3A_64 : i32
      %sign3A_66 = arith.extui %sign3A_65 : i1 to i32
      %sign3A_67 = arith.constant 0 : i32
      %sign3A_68 = arith.cmpi slt, %jit3A, %sign3A_67 : i32
      %sign3A_69 = arith.extui %sign3A_68 : i1 to i32
      %sign3A_70 = arith.subi %sign3A_66, %sign3A_69 : i32
      %ne3A = vector.broadcast %sign3A_70 : i32 to vector<16xi32>
      %ne3A_71 = arith.cmpi ne, %sign3A_63, %ne3A : vector<16xi32>
      %rem3A = vector.broadcast %jit3A : i32 to vector<16xi32>
      %rem3A_72 = arith.remsi %mul3A_54, %rem3A : vector<16xi32>
      %ne3A_73 = arith.constant 0 : i32
      %ne3A_74 = vector.broadcast %ne3A_73 : i32 to vector<16xi32>
      %ne3A_75 = arith.cmpi ne, %rem3A_72, %ne3A_74 : vector<16xi32>
      %and3A = arith.andi %ne3A_71, %ne3A_75 : vector<16xi1>
      %sub3A_76 = arith.constant 1 : i32
      %sub3A_77 = vector.broadcast %sub3A_76 : i32 to vector<16xi32>
      %sub3A_78 = arith.subi %div3A_55, %sub3A_77 : vector<16xi32>
      %select_n3A = arith.select %and3A, %sub3A_78, %div3A_55 : vector<16xi1>, vector<16xi32>
      %sub3A_79 = arith.subi %mul3A_51, %select_n3A : vector<16xi32>
      %sub3A_80 = arith.subi %add3A_38, %sub3A_79 : vector<16xi32>
      %add3A_81 = arith.addi %sub3A_80, %scan3A_47#0 : vector<16xi32>
      %add3A_82 = arith.constant 1 : i32
      %add3A_83 = vector.broadcast %add3A_82 : i32 to vector<16xi32>
      %add3A_84 = arith.addi %add3A_81, %add3A_83 : vector<16xi32>
      %swap3A = arith.index_cast %min3A_27 : i32 to index
      %swap3A_85 = tpu.vector_load %arg10[%swap3A] {strides = array<i32>} : memref<1000xi32, #tpu.memory_space<vmem>>, vector<16xi32>,
      tpu.vector_store %arg10[%swap3A], %scan3A_47#0 {strides = array<i32>} : memref<1000xi32, #tpu.memory_space<vmem>>, vector<16xi32>,
      %swap3A_86 = arith.index_cast %min3A_27 : i32 to index
      %swap3A_87 = tpu.vector_load %arg11[%swap3A_86] {strides = array<i32>} : memref<1000xi32, #tpu.memory_space<vmem>>, vector<16xi32>,
      tpu.vector_store %arg11[%swap3A_86], %add3A_84 {strides = array<i32>} : memref<1000xi32, #tpu.memory_space<vmem>>, vector<16xi32>,
    }
    %scan3A_11 = arith.constant 63 : i32
    %scan3A_12 = arith.constant 0 : i32
    %scan3A_13 = arith.constant 0 : i32
    %scan3A_14 = arith.constant 5 : i32
    %scan3A_15 = arith.addi %scan3A_13, %scan3A_14 : i32
    %scan3A_16 = arith.constant 1 : i32
    scf.for %scan3A_24 = %scan3A_13 to %scan3A_15 step %scan3A_16  : i32 {
      %mul3A_25 = arith.constant 200 : i32
      %mul3A_26 = arith.muli %scan3A_24, %mul3A_25 : i32
      %mul3A_27 = arith.constant 200 : i32
      %mul3A_28 = arith.muli %scan3A_24, %mul3A_27 : i32
      %mul3A_29 = arith.constant 1000 : i32
      %mul3A_30 = arith.muli %add3A, %mul3A_29 : i32
      %mul3A_31 = arith.constant 200 : i32
      %mul3A_32 = arith.muli %scan3A_24, %mul3A_31 : i32
      %add3A_33 = arith.addi %mul3A_30, %mul3A_32 : i32
      %dma_start3A = tpu.memref_slice %arg12[%mul3A_26] : memref<1000xi32, #tpu.memory_space<vmem>> -> memref<200xi32, #tpu.memory_space<vmem>>
      %dma_start3A_34 = arith.constant 0 : i32
      %dma_start3A_35 = arith.constant 0 : i32
      %dma_start3A_36 = tpu.memref_slice %arg2[%dma_start3A_34, %dma_start3A_35] : memref<2000x128xf32, #tpu.memory_space<hbm>> -> memref<2000x128xf32, #tpu.memory_space<hbm>>
      tpu.enqueue_indirect_dma source(%dma_start3A_36 : memref<2000x128xf32, #tpu.memory_space<hbm>>) target(%arg14 : memref<200x128xf32, #tpu.memory_space<vmem>>) offsets(%dma_start3A : memref<200xi32, #tpu.memory_space<vmem>>) semaphore(%arg17 : memref<!tpu.dma_semaphore, #tpu.memory_space<semaphore_mem>>)
      %dma_wait3A = tpu.memref_slice %arg12[%mul3A_26] : memref<1000xi32, #tpu.memory_space<vmem>> -> memref<200xi32, #tpu.memory_space<vmem>>
      %dma_wait3A_37 = arith.constant 0 : i32
      %dma_wait3A_38 = arith.constant 0 : i32
      %dma_wait3A_39 = tpu.memref_slice %arg2[%dma_wait3A_37, %dma_wait3A_38] : memref<2000x128xf32, #tpu.memory_space<hbm>> -> memref<2000x128xf32, #tpu.memory_space<hbm>>
      tpu.wait_indirect_dma semaphore(%arg17 : memref<!tpu.dma_semaphore, #tpu.memory_space<semaphore_mem>>) src(%dma_wait3A_39 : memref<2000x128xf32, #tpu.memory_space<hbm>>) dst(%arg14 : memref<200x128xf32, #tpu.memory_space<vmem>>)
      %dma_start3A_40 = tpu.memref_slice %arg13[%mul3A_28] : memref<1000xi32, #tpu.memory_space<vmem>> -> memref<200xi32, #tpu.memory_space<vmem>>
      %dma_start3A_41 = arith.constant 0 : i32
      %dma_start3A_42 = arith.constant 0 : i32
      %dma_start3A_43 = tpu.memref_slice %arg2[%dma_start3A_41, %dma_start3A_42] : memref<2000x128xf32, #tpu.memory_space<hbm>> -> memref<2000x128xf32, #tpu.memory_space<hbm>>
      tpu.enqueue_indirect_dma source(%dma_start3A_43 : memref<2000x128xf32, #tpu.memory_space<hbm>>) target(%arg15 : memref<200x128xf32, #tpu.memory_space<vmem>>) offsets(%dma_start3A_40 : memref<200xi32, #tpu.memory_space<vmem>>) semaphore(%arg17 : memref<!tpu.dma_semaphore, #tpu.memory_space<semaphore_mem>>)
      %dma_wait3A_44 = tpu.memref_slice %arg13[%mul3A_28] : memref<1000xi32, #tpu.memory_space<vmem>> -> memref<200xi32, #tpu.memory_space<vmem>>
      %dma_wait3A_45 = arith.constant 0 : i32
      %dma_wait3A_46 = arith.constant 0 : i32
      %dma_wait3A_47 = tpu.memref_slice %arg2[%dma_wait3A_45, %dma_wait3A_46] : memref<2000x128xf32, #tpu.memory_space<hbm>> -> memref<2000x128xf32, #tpu.memory_space<hbm>>
      tpu.wait_indirect_dma semaphore(%arg17 : memref<!tpu.dma_semaphore, #tpu.memory_space<semaphore_mem>>) src(%dma_wait3A_47 : memref<2000x128xf32, #tpu.memory_space<hbm>>) dst(%arg15 : memref<200x128xf32, #tpu.memory_space<vmem>>)
      %scan3A_48 = arith.constant 0 : i32
      %scan3A_49 = arith.constant 0 : i32
      %scan3A_50 = arith.constant 13 : i32
      %scan3A_51 = arith.addi %scan3A_49, %scan3A_50 : i32
      %scan3A_52 = arith.constant 1 : i32
      scf.for %scan3A_54 = %scan3A_49 to %scan3A_51 step %scan3A_52  : i32 {
        %mul3A_55 = arith.constant 16 : i32
        %mul3A_56 = arith.muli %scan3A_54, %mul3A_55 : i32
        %min3A = arith.constant 184 : i32
        %min3A_57 = arith.minsi %mul3A_56, %min3A : i32
        %broadcast_in_dim3A = arith.constant 0.000000e+00 : f32
        %broadcast_in_dim3A_58 = vector.broadcast %broadcast_in_dim3A : f32 to vector<16xf32>
        %scan3A_59 = arith.constant 0 : i32
        %scan3A_60 = arith.constant 16 : i32
        %scan3A_61 = arith.addi %scan3A_59, %scan3A_60 : i32
        %scan3A_62 = arith.constant 1 : i32
        %scan3A_63 = scf.for %scan3A_66 = %scan3A_59 to %scan3A_61 step %scan3A_62 iter_args(%scan3A_67 = %broadcast_in_dim3A_58) -> (vector<16xf32>)  : i32 {
          %add3A_68 = arith.addi %min3A_57, %scan3A_66 : i32
          %broadcast_in_dim3A_69 = arith.constant 0.000000e+00 : f32
          %broadcast_in_dim3A_70 = vector.broadcast %broadcast_in_dim3A_69 : f32 to vector<16xf32>
          %scan3A_71 = arith.constant 0 : i32
          %scan3A_72 = arith.constant 8 : i32
          %scan3A_73 = arith.addi %scan3A_71, %scan3A_72 : i32
          %scan3A_74 = arith.constant 1 : i32
          %scan3A_75 = scf.for %scan3A_82 = %scan3A_71 to %scan3A_73 step %scan3A_74 iter_args(%scan3A_83 = %broadcast_in_dim3A_70) -> (vector<16xf32>)  : i32 {
            %mul3A_84 = arith.constant 16 : i32
            %mul3A_85 = arith.muli %scan3A_82, %mul3A_84 : i32
            %get3A = arith.index_cast %add3A_68 : i32 to index
            %get3A_86 = arith.index_cast %mul3A_85 : i32 to index
            %get3A_87 = tpu.vector_load %arg14[%get3A, %get3A_86] {strides = array<i32>} : memref<200x128xf32, #tpu.memory_space<vmem>>, vector<16xf32>,
            %mul3A_88 = arith.constant 16 : i32
            %mul3A_89 = arith.muli %scan3A_82, %mul3A_88 : i32
            %get3A_90 = arith.index_cast %add3A_68 : i32 to index
            %get3A_91 = arith.index_cast %mul3A_89 : i32 to index
            %get3A_92 = tpu.vector_load %arg15[%get3A_90, %get3A_91] {strides = array<i32>} : memref<200x128xf32, #tpu.memory_space<vmem>>, vector<16xf32>,
            %mul3A_93 = arith.mulf %get3A_87, %get3A_92 : vector<16xf32>
            %add3A_94 = arith.addf %scan3A_83, %mul3A_93 : vector<16xf32>
            scf.yield %add3A_94 : vector<16xf32>
          }
          %scan3A_76 = arith.constant 8 : i32
          %reduce_sum3A = arith.constant true
          %reduce_sum3A_77 = vector.broadcast %reduce_sum3A : i1 to vector<16xi1>
          %reduce_sum3A_78 = tpu.scan <sum>, %scan3A_75 masked %reduce_sum3A_77 : vector<16xf32>, vector<16xi1> -> vector<16xf32>
          %reduce_sum3A_79 = vector.extract %reduce_sum3A_78[15] : f32 from vector<16xf32>
          %eq3A = vector.broadcast %scan3A_66 : i32 to vector<16xi32>
          %eq3A_80 = arith.cmpi eq, %iota3A, %eq3A : vector<16xi32>
          %broadcast_in_dim3A_81 = vector.broadcast %reduce_sum3A_79 : f32 to vector<16xf32>
          %select_n3A = arith.select %eq3A_80, %broadcast_in_dim3A_81, %scan3A_67 : vector<16xi1>, vector<16xf32>
          scf.yield %select_n3A : vector<16xf32>
        }
        %scan3A_64 = arith.constant 16 : i32
        %swap3A = arith.index_cast %min3A_57 : i32 to index
        %swap3A_65 = tpu.vector_load %arg16[%swap3A] {strides = array<i32>} : memref<200xf32, #tpu.memory_space<vmem>>, vector<16xf32>,
        tpu.vector_store %arg16[%swap3A], %scan3A_63 {strides = array<i32>} : memref<200xf32, #tpu.memory_space<vmem>>, vector<16xf32>,
      }
      %scan3A_53 = arith.constant 13 : i32
      "tpu.region"() ({
        %run_scoped3A = tpu.sem_alloc : memref<!tpu.dma_semaphore, #tpu.memory_space<semaphore_mem>>
        %dma_start3A_54 = tpu.memref_slice %arg7[%add3A_33] : memref<64000xf32, #tpu.memory_space<hbm>> -> memref<200xf32, #tpu.memory_space<hbm>>
        %dma_start3A_55 = tpu.memref_slice %arg7[%add3A_33] : memref<64000xf32, #tpu.memory_space<hbm>> -> memref<200xf32, #tpu.memory_space<hbm>>
        tpu.enqueue_dma source(%arg16 : memref<200xf32, #tpu.memory_space<vmem>>) target(%dma_start3A_55 : memref<200xf32, #tpu.memory_space<hbm>>) target_semaphore(%run_scoped3A : memref<!tpu.dma_semaphore, #tpu.memory_space<semaphore_mem>>)
        %dma_wait3A_56 = tpu.memref_slice %arg7[%add3A_33] : memref<64000xf32, #tpu.memory_space<hbm>> -> memref<200xf32, #tpu.memory_space<hbm>>
        %dma_wait3A_57 = tpu.memref_slice %arg7[%add3A_33] : memref<64000xf32, #tpu.memory_space<hbm>> -> memref<200xf32, #tpu.memory_space<hbm>>
        tpu.wait_dma2 semaphore(%run_scoped3A : memref<!tpu.dma_semaphore, #tpu.memory_space<semaphore_mem>>) src(%arg16 : memref<200xf32, #tpu.memory_space<vmem>>) dst(%dma_wait3A_57 : memref<200xf32, #tpu.memory_space<hbm>>)
        tpu.yield
      }) : () -> ()
    }
    %scan3A_17 = arith.constant 5 : i32
    %scan3A_18 = arith.constant 0 : i32
    %scan3A_19 = arith.constant 0 : i32
    %scan3A_20 = arith.constant 5 : i32
    %scan3A_21 = arith.addi %scan3A_19, %scan3A_20 : i32
    %scan3A_22 = arith.constant 1 : i32
    scf.for %scan3A_24 = %scan3A_19 to %scan3A_21 step %scan3A_22  : i32 {
      %mul3A_25 = arith.constant 200 : i32
      %mul3A_26 = arith.muli %scan3A_24, %mul3A_25 : i32
      %mul3A_27 = arith.constant 200 : i32
      %mul3A_28 = arith.muli %scan3A_24, %mul3A_27 : i32
      %mul3A_29 = arith.constant 1000 : i32
      %mul3A_30 = arith.muli %add3A, %mul3A_29 : i32
      %add3A_31 = arith.constant 32000 : i32
      %add3A_32 = arith.addi %add3A_31, %mul3A_30 : i32
      %mul3A_33 = arith.constant 200 : i32
      %mul3A_34 = arith.muli %scan3A_24, %mul3A_33 : i32
      %add3A_35 = arith.addi %add3A_32, %mul3A_34 : i32
      %dma_start3A = tpu.memref_slice %arg10[%mul3A_26] : memref<1000xi32, #tpu.memory_space<vmem>> -> memref<200xi32, #tpu.memory_space<vmem>>
      %dma_start3A_36 = arith.constant 0 : i32
      %dma_start3A_37 = arith.constant 0 : i32
      %dma_start3A_38 = tpu.memref_slice %arg2[%dma_start3A_36, %dma_start3A_37] : memref<2000x128xf32, #tpu.memory_space<hbm>> -> memref<2000x128xf32, #tpu.memory_space<hbm>>
      tpu.enqueue_indirect_dma source(%dma_start3A_38 : memref<2000x128xf32, #tpu.memory_space<hbm>>) target(%arg14 : memref<200x128xf32, #tpu.memory_space<vmem>>) offsets(%dma_start3A : memref<200xi32, #tpu.memory_space<vmem>>) semaphore(%arg17 : memref<!tpu.dma_semaphore, #tpu.memory_space<semaphore_mem>>)
      %dma_wait3A = tpu.memref_slice %arg10[%mul3A_26] : memref<1000xi32, #tpu.memory_space<vmem>> -> memref<200xi32, #tpu.memory_space<vmem>>
      %dma_wait3A_39 = arith.constant 0 : i32
      %dma_wait3A_40 = arith.constant 0 : i32
      %dma_wait3A_41 = tpu.memref_slice %arg2[%dma_wait3A_39, %dma_wait3A_40] : memref<2000x128xf32, #tpu.memory_space<hbm>> -> memref<2000x128xf32, #tpu.memory_space<hbm>>
      tpu.wait_indirect_dma semaphore(%arg17 : memref<!tpu.dma_semaphore, #tpu.memory_space<semaphore_mem>>) src(%dma_wait3A_41 : memref<2000x128xf32, #tpu.memory_space<hbm>>) dst(%arg14 : memref<200x128xf32, #tpu.memory_space<vmem>>)
      %dma_start3A_42 = tpu.memref_slice %arg11[%mul3A_28] : memref<1000xi32, #tpu.memory_space<vmem>> -> memref<200xi32, #tpu.memory_space<vmem>>
      %dma_start3A_43 = arith.constant 0 : i32
      %dma_start3A_44 = arith.constant 0 : i32
      %dma_start3A_45 = tpu.memref_slice %arg2[%dma_start3A_43, %dma_start3A_44] : memref<2000x128xf32, #tpu.memory_space<hbm>> -> memref<2000x128xf32, #tpu.memory_space<hbm>>
      tpu.enqueue_indirect_dma source(%dma_start3A_45 : memref<2000x128xf32, #tpu.memory_space<hbm>>) target(%arg15 : memref<200x128xf32, #tpu.memory_space<vmem>>) offsets(%dma_start3A_42 : memref<200xi32, #tpu.memory_space<vmem>>) semaphore(%arg17 : memref<!tpu.dma_semaphore, #tpu.memory_space<semaphore_mem>>)
      %dma_wait3A_46 = tpu.memref_slice %arg11[%mul3A_28] : memref<1000xi32, #tpu.memory_space<vmem>> -> memref<200xi32, #tpu.memory_space<vmem>>
      %dma_wait3A_47 = arith.constant 0 : i32
      %dma_wait3A_48 = arith.constant 0 : i32
      %dma_wait3A_49 = tpu.memref_slice %arg2[%dma_wait3A_47, %dma_wait3A_48] : memref<2000x128xf32, #tpu.memory_space<hbm>> -> memref<2000x128xf32, #tpu.memory_space<hbm>>
      tpu.wait_indirect_dma semaphore(%arg17 : memref<!tpu.dma_semaphore, #tpu.memory_space<semaphore_mem>>) src(%dma_wait3A_49 : memref<2000x128xf32, #tpu.memory_space<hbm>>) dst(%arg15 : memref<200x128xf32, #tpu.memory_space<vmem>>)
      %scan3A_50 = arith.constant 0 : i32
      %scan3A_51 = arith.constant 0 : i32
      %scan3A_52 = arith.constant 13 : i32
      %scan3A_53 = arith.addi %scan3A_51, %scan3A_52 : i32
      %scan3A_54 = arith.constant 1 : i32
      scf.for %scan3A_56 = %scan3A_51 to %scan3A_53 step %scan3A_54  : i32 {
        %mul3A_57 = arith.constant 16 : i32
        %mul3A_58 = arith.muli %scan3A_56, %mul3A_57 : i32
        %min3A = arith.constant 184 : i32
        %min3A_59 = arith.minsi %mul3A_58, %min3A : i32
        %broadcast_in_dim3A = arith.constant 0.000000e+00 : f32
        %broadcast_in_dim3A_60 = vector.broadcast %broadcast_in_dim3A : f32 to vector<16xf32>
        %scan3A_61 = arith.constant 0 : i32
        %scan3A_62 = arith.constant 16 : i32
        %scan3A_63 = arith.addi %scan3A_61, %scan3A_62 : i32
        %scan3A_64 = arith.constant 1 : i32
        %scan3A_65 = scf.for %scan3A_68 = %scan3A_61 to %scan3A_63 step %scan3A_64 iter_args(%scan3A_69 = %broadcast_in_dim3A_60) -> (vector<16xf32>)  : i32 {
          %add3A_70 = arith.addi %min3A_59, %scan3A_68 : i32
          %broadcast_in_dim3A_71 = arith.constant 0.000000e+00 : f32
          %broadcast_in_dim3A_72 = vector.broadcast %broadcast_in_dim3A_71 : f32 to vector<16xf32>
          %scan3A_73 = arith.constant 0 : i32
          %scan3A_74 = arith.constant 8 : i32
          %scan3A_75 = arith.addi %scan3A_73, %scan3A_74 : i32
          %scan3A_76 = arith.constant 1 : i32
          %scan3A_77 = scf.for %scan3A_84 = %scan3A_73 to %scan3A_75 step %scan3A_76 iter_args(%scan3A_85 = %broadcast_in_dim3A_72) -> (vector<16xf32>)  : i32 {
            %mul3A_86 = arith.constant 16 : i32
            %mul3A_87 = arith.muli %scan3A_84, %mul3A_86 : i32
            %get3A = arith.index_cast %add3A_70 : i32 to index
            %get3A_88 = arith.index_cast %mul3A_87 : i32 to index
            %get3A_89 = tpu.vector_load %arg14[%get3A, %get3A_88] {strides = array<i32>} : memref<200x128xf32, #tpu.memory_space<vmem>>, vector<16xf32>,
            %mul3A_90 = arith.constant 16 : i32
            %mul3A_91 = arith.muli %scan3A_84, %mul3A_90 : i32
            %get3A_92 = arith.index_cast %add3A_70 : i32 to index
            %get3A_93 = arith.index_cast %mul3A_91 : i32 to index
            %get3A_94 = tpu.vector_load %arg15[%get3A_92, %get3A_93] {strides = array<i32>} : memref<200x128xf32, #tpu.memory_space<vmem>>, vector<16xf32>,
            %mul3A_95 = arith.mulf %get3A_89, %get3A_94 : vector<16xf32>
            %add3A_96 = arith.addf %scan3A_85, %mul3A_95 : vector<16xf32>
            scf.yield %add3A_96 : vector<16xf32>
          }
          %scan3A_78 = arith.constant 8 : i32
          %reduce_sum3A = arith.constant true
          %reduce_sum3A_79 = vector.broadcast %reduce_sum3A : i1 to vector<16xi1>
          %reduce_sum3A_80 = tpu.scan <sum>, %scan3A_77 masked %reduce_sum3A_79 : vector<16xf32>, vector<16xi1> -> vector<16xf32>
          %reduce_sum3A_81 = vector.extract %reduce_sum3A_80[15] : f32 from vector<16xf32>
          %eq3A = vector.broadcast %scan3A_68 : i32 to vector<16xi32>
          %eq3A_82 = arith.cmpi eq, %iota3A, %eq3A : vector<16xi32>
          %broadcast_in_dim3A_83 = vector.broadcast %reduce_sum3A_81 : f32 to vector<16xf32>
          %select_n3A = arith.select %eq3A_82, %broadcast_in_dim3A_83, %scan3A_69 : vector<16xi1>, vector<16xf32>
          scf.yield %select_n3A : vector<16xf32>
        }
        %scan3A_66 = arith.constant 16 : i32
        %swap3A = arith.index_cast %min3A_59 : i32 to index
        %swap3A_67 = tpu.vector_load %arg16[%swap3A] {strides = array<i32>} : memref<200xf32, #tpu.memory_space<vmem>>, vector<16xf32>,
        tpu.vector_store %arg16[%swap3A], %scan3A_65 {strides = array<i32>} : memref<200xf32, #tpu.memory_space<vmem>>, vector<16xf32>,
      }
      %scan3A_55 = arith.constant 13 : i32
      "tpu.region"() ({
        %run_scoped3A = tpu.sem_alloc : memref<!tpu.dma_semaphore, #tpu.memory_space<semaphore_mem>>
        %dma_start3A_56 = tpu.memref_slice %arg7[%add3A_35] : memref<64000xf32, #tpu.memory_space<hbm>> -> memref<200xf32, #tpu.memory_space<hbm>>
        %dma_start3A_57 = tpu.memref_slice %arg7[%add3A_35] : memref<64000xf32, #tpu.memory_space<hbm>> -> memref<200xf32, #tpu.memory_space<hbm>>
        tpu.enqueue_dma source(%arg16 : memref<200xf32, #tpu.memory_space<vmem>>) target(%dma_start3A_57 : memref<200xf32, #tpu.memory_space<hbm>>) target_semaphore(%run_scoped3A : memref<!tpu.dma_semaphore, #tpu.memory_space<semaphore_mem>>)
        %dma_wait3A_58 = tpu.memref_slice %arg7[%add3A_35] : memref<64000xf32, #tpu.memory_space<hbm>> -> memref<200xf32, #tpu.memory_space<hbm>>
        %dma_wait3A_59 = tpu.memref_slice %arg7[%add3A_35] : memref<64000xf32, #tpu.memory_space<hbm>> -> memref<200xf32, #tpu.memory_space<hbm>>
        tpu.wait_dma2 semaphore(%run_scoped3A : memref<!tpu.dma_semaphore, #tpu.memory_space<semaphore_mem>>) src(%arg16 : memref<200xf32, #tpu.memory_space<vmem>>) dst(%dma_wait3A_59 : memref<200xf32, #tpu.memory_space<hbm>>)
        tpu.yield
      }) : () -> ()
    }
    %scan3A_23 = arith.constant 5 : i32
    return
  }
}

module attributes {stable_mosaic.version = 14 : i64} {
  func.func @_tc_loss_kernel(%arg0: memref<500x128xf32, #tpu.memory_space<vmem>>, %arg1: memref<1x1xf32, #tpu.memory_space<vmem>>) attributes {dimension_semantics = [], scalar_prefetch = 0 : i64, scratch_operands = 0 : i64, tpu.core_type = #tpu.core_type<tc>} {
    %get3A = arith.constant 0 : index
    %get3A_0 = arith.constant 0 : index
    %get3A_1 = vector.load %arg0[%get3A, %get3A_0] : memref<500x128xf32, #tpu.memory_space<vmem>>, vector<500x128xf32>
    %iota3A = tpu.iota {dimensions = array<i32: 0>} : vector<500x128xi32>
    %lt3A = arith.constant 250 : i32
    %lt3A_2 = vector.broadcast %lt3A : i32 to vector<500x128xi32>
    %lt3A_3 = arith.cmpi slt, %iota3A, %lt3A_2 : vector<500x128xi32>
    %neg3A = arith.constant 0.000000e+00 : f32
    %neg3A_4 = vector.broadcast %neg3A : f32 to vector<500x128xf32>
    %neg3A_5 = arith.subf %neg3A_4, %get3A_1 : vector<500x128xf32>
    %select_n3A = arith.select %lt3A_3, %neg3A_5, %get3A_1 : vector<500x128xi1>, vector<500x128xf32>
    %max3A = arith.constant 0.000000e+00 : f32
    %max3A_6 = vector.broadcast %max3A : f32 to vector<500x128xf32>
    %max3A_7 = arith.maximumf %select_n3A, %max3A_6 : vector<500x128xf32>
    %abs3A = math.absf %select_n3A : vector<500x128xf32>
    %neg3A_8 = arith.constant 0.000000e+00 : f32
    %neg3A_9 = vector.broadcast %neg3A_8 : f32 to vector<500x128xf32>
    %neg3A_10 = arith.subf %neg3A_9, %abs3A : vector<500x128xf32>
    %exp3A = math.exp %neg3A_10 : vector<500x128xf32>
    %log1p3A = math.log1p %exp3A : vector<500x128xf32>
    %add3A = arith.addf %max3A_7, %log1p3A : vector<500x128xf32>
    %reduce_sum3A = vector.shape_cast %add3A : vector<500x128xf32> to vector<1x500x128xf32>
    %reduce_sum3A_11 = arith.constant dense<0.000000e+00> : vector<1xf32>
    %reduce_sum3A_12 = vector.multi_reduction <add>, %reduce_sum3A, %reduce_sum3A_11 [1, 2] : vector<1x500x128xf32> to vector<1xf32>
    %reduce_sum3A_13 = vector.shape_cast %reduce_sum3A_12 : vector<1xf32> to vector<1x1x1xf32>
    %reduce_sum3A_14 = vector.extract %reduce_sum3A_13[0, 0, 0] : f32 from vector<1x1x1xf32>
    %mul3A = arith.constant 9.76562497E-10 : f32
    %mul3A_15 = arith.mulf %reduce_sum3A_14, %mul3A : f32
    %broadcast_in_dim3A = vector.broadcast %mul3A_15 : f32 to vector<1x1xf32>
    %swap3A = arith.constant 0 : index
    %swap3A_16 = arith.constant 0 : index
    %swap3A_17 = vector.load %arg1[%swap3A, %swap3A_16] : memref<1x1xf32, #tpu.memory_space<vmem>>, vector<1x1xf32>
    tpu.vector_store %arg1[%swap3A, %swap3A_16], %broadcast_in_dim3A {strides = array<i32>} : memref<1x1xf32, #tpu.memory_space<vmem>>, vector<1x1xf32>,
    return
  }
}

</mosaic_0001>

<sc_bundles>
// kernel: kernel.4.cloned.1.call-start
scs
__scs_entry_jumppad:
0x0: {  	(pc) =	sbr.rel $0x88, $3  }
0x1: {  	(tag) =	ssettag $0x0;
	lr =	simm.s32 $0x1  }
0x2: {  	[smem:$0x3F9F] =	sst lr;
	_ =	strace $0xD0000000  }
0x3: {  	_ = 	snop  }
0x4: {  	_ = 	snop  }
0x5: {  	_ = 	snop  }
0x6: {  	_ = 	snop  }
0x7: {  	_ = 	snop  }
__scs_overlays_trampoline_lowered:
0x8: {  	[smem:$0x3FAE] =	sst s0  }
0x9: {  	[smem:$0x3FAF] =	sst s1  }
0xa: {  	[smem:$0x3FB0] =	sst s2  }
0xb: {  	[smem:$0x3FB1] =	sst s3  }
0xc: {  	[smem:$0x3FB2] =	sst s4  }
0xd: {  	[smem:$0x3FB3] =	sst s5  }
0xe: {  	[smem:$0x3FB4] =	sst s6  }
0xf: {  	[smem:$0x3FB5] =	sst s7  }
0x10: {  	[smem:$0x3FB6] =	sst s8  }
0x11: {  	[smem:$0x3FB7] =	sst s9;
	s0 =	simm.s32 @!p0 $0x0  }
0x12: {  	s1 =	sld [smem:$0x3F9D];
	s0 =	simm.s32 @p0 $0x1  }
0x13: {  	[smem:$0x3FB8] =	sst s0;
	s0 =	simm.s32 @!p1 $0x0  }
0x14: {  	s2 =	sld [smem:$0x3F9C];
	s0 =	simm.s32 @p1 $0x1  }
0x15: {  	[smem:$0x3FB9] =	sst s0;
	s0 =	simm.s32 @!p2 $0x0  }
0x16: {  	s3 =	sld [smem:$0x3FDB];
	s0 =	simm.s32 @p2 $0x1  }
0x17: {  	s4 =	simm.s32 $0x1BF5;
	[smem:$0x3FBB] =	sst s0  }
0x18: {  	s0 =	sld [smem:$0x3F9E];
	_ =	swait.ge [sflag:s4], $0x0  }
0x19: {  	s7 =	sld [smem:$0x3F9F]  }
0x1a: {  	s8 =	sadd.s32 $0xFFFFE003, lr  }
0x1b: {  	s9 =	sadd.s32 $0xFFFFFEF7, lr;
	s5 =	simm.s32 $0xFFFFFFFF;
	p2 =	slt.u32 s8, $0xFFFFF086  }
0x1c: {  	p1 =	slt.u32 s9, $0xF7A;
	s5 =	simm.s32 @!p2 $0x0  }
0x1d: {  	s5 =	simm.s32 @p1 $0x1;
	p0 =	seq.s32 s7, s2  }
0x1e: {  	s7 =	smul.u32 @!p0 $0xF7A, s2;
	p2 =	seq.s32 @!p0 s5, $0x0  }
0x1f: {  	s9 =	smul.u32 $0xF7A, s1;
	s8 =	simm.s32 @!p0 $0x1BF5;
	p2 =	por !p2, p0  }
0x20: {  	[sflag:s8] =	ssyncset.s32 @!p0 $0xFFFFF086;
	s6 =	sadd.s32 @!p0 s3, s7;
	s7 =	simm.s32 @!p0 $0x108  }
0x21: {  	s3 =	sadd.s32 s3, s9;
	s6 =	sadd.s32 @!p0 $0x88, s6;
	s7 =	simm.s32 @p2 $0x1082  }
0x22: {  	[simem:s7], [sflag:s8] =	dma.local @!p0 [hbm:s6], $0xF7A  }
0x23: {  	s9 =	sor.u32 $0xD0000000, s2;
	s6 =	simm.s32 $0x108;
	_ =	swait.ge @!p0 [sflag:s8], $0x0  }
0x24: {  	s3 =	sadd.s32 $0x88, s3;
	s6 =	simm.s32 @!p1 $0x1082;
	[sflag:s4] =	ssyncset.s32 $0xFFFFF086  }
0x25: {  	[simem:s6], [sflag:s4] =	dma.local [hbm:s3], $0xF7A  }
0x26: {  	[smem:$0x3F9F] =	sst s1;
	(tag) =	ssettag s2;
	_ =	strace s9  }
0x27: {  	s1 =	sld [smem:$0x3FAF]  }
0x28: {  	s2 =	sld [smem:$0x3FB0]  }
0x29: {  	s4 =	sld [smem:$0x3FB2]  }
0x2a: {  	p0 =	seq.s32 s5, $0x0;
	s5 =	sld [smem:$0x3FB3]  }
0x2b: {  	s6 =	sld [smem:$0x3FB4]  }
0x2c: {  	s7 =	sld [smem:$0x3FB5]  }
0x2d: {  	s3 =	simm.s32 $0x108;
	s8 =	sld [smem:$0x3FB6]  }
0x2e: {  	s3 =	simm.s32 @!p0 $0x1082;
	s9 =	sld [smem:$0x3FB7]  }
0x2f: {  	lr =	sadd.s32 s0, s3;
	s0 =	sld [smem:$0x3FAE]  }
0x30: {  	s3 =	sld [smem:$0x3FB1]  }
0x31: {  	[smem:$0x3FBA] =	sst s10  }
0x32: {  	s10 =	sld [smem:$0x3FB8];
	_ =	sdelay $0x3  }
0x33: {  	p0 =	seq.s32 s10, $0x1;
	s10 =	sld [smem:$0x3FBA];
	_ =	sdelay $0x3  }
0x34: {  	[smem:$0x3FBA] =	sst s10  }
0x35: {  	s10 =	sld [smem:$0x3FB9];
	_ =	sdelay $0x3  }
0x36: {  	p1 =	seq.s32 s10, $0x1;
	s10 =	sld [smem:$0x3FBA];
	_ =	sdelay $0x3  }
0x37: {  	[smem:$0x3FBA] =	sst s10  }
0x38: {  	s10 =	sld [smem:$0x3FBB]  }
0x39: {  	_ = 	snop;
	(pc) =	sbr.ind lr, $3  }
0x3a: {  	_ = 	snop  }
0x3b: {  	_ = 	snop  }
0x3c: {  	p2 =	seq.s32 s10, $0x1;
	s10 =	sld [smem:$0x3FBA]  }
0x3d: {  	_ =	shalt  }
0x3e: {  	_ =	shalt  }
0x3f: {  	_ =	shalt  }
0x40: {  	_ =	shalt  }
0x41: {  	_ =	shalt  }
0x42: {  	_ =	shalt  }
0x43: {  	_ =	shalt  }
0x44: {  	_ =	shalt  }
0x45: {  	_ =	shalt  }
0x46: {  	_ =	shalt  }
0x47: {  	_ =	shalt  }
0x48: {  	_ =	shalt  }
0x49: {  	_ =	shalt  }
0x4a: {  	_ =	shalt  }
0x4b: {  	_ =	shalt  }
0x4c: {  	_ =	shalt  }
0x4d: {  	_ =	shalt  }
0x4e: {  	_ =	shalt  }
0x4f: {  	_ =	shalt  }
0x50: {  	_ =	shalt  }
0x51: {  	_ =	shalt  }
0x52: {  	_ =	shalt  }
0x53: {  	_ =	shalt  }
0x54: {  	_ =	shalt  }
0x55: {  	_ =	shalt  }
0x56: {  	_ =	shalt  }
0x57: {  	_ =	shalt  }
0x58: {  	_ =	shalt  }
0x59: {  	_ =	shalt  }
0x5a: {  	_ =	shalt  }
0x5b: {  	_ =	shalt  }
0x5c: {  	_ =	shalt  }
0x5d: {  	_ =	shalt  }
0x5e: {  	_ =	shalt  }
0x5f: {  	_ =	shalt  }
0x60: {  	_ =	shalt  }
0x61: {  	_ =	shalt  }
0x62: {  	_ =	shalt  }
0x63: {  	_ =	shalt  }
0x64: {  	_ =	shalt  }
0x65: {  	_ =	shalt  }
0x66: {  	_ =	shalt  }
0x67: {  	_ =	shalt  }
0x68: {  	_ =	shalt  }
0x69: {  	_ =	shalt  }
0x6a: {  	_ =	shalt  }
0x6b: {  	_ =	shalt  }
0x6c: {  	_ =	shalt  }
0x6d: {  	_ =	shalt  }
0x6e: {  	_ =	shalt  }
0x6f: {  	_ =	shalt  }
0x70: {  	_ =	shalt  }
0x71: {  	_ =	shalt  }
0x72: {  	_ =	shalt  }
0x73: {  	_ =	shalt  }
0x74: {  	_ =	shalt  }
0x75: {  	_ =	shalt  }
0x76: {  	_ =	shalt  }
0x77: {  	_ =	shalt  }
0x78: {  	_ =	shalt  }
0x79: {  	_ =	shalt  }
0x7a: {  	_ =	shalt  }
0x7b: {  	_ =	shalt  }
0x7c: {  	_ =	shalt  }
0x7d: {  	_ =	shalt  }
0x7e: {  	_ =	shalt  }
0x7f: {  	_ =	shalt  }
0x80: {  	_ =	shalt  }
0x81: {  	_ =	shalt  }
0x82: {  	_ =	shalt  }
0x83: {  	_ =	shalt  }
0x84: {  	_ =	shalt  }
0x85: {  	_ =	shalt  }
0x86: {  	_ =	shalt  }
0x87: {  	_ =	shalt  }
.Lfunc_end0:
.L_simem_size_0:
called_computation_lowered:
.L_overlay_start_0:
0x88: {  	s2 =	sld [smem:$0x3FD9]  }
0x89: {  	s3 =	sld [smem:$0x3FFE];
	_ =	sdelay $0x1  }
0x8a: {  	s1 =	srdreg.scid  }
0x8b: {  	s0 =	sand.u32 $0x1, s1  }
0x8c: {  	s17 =	sshll.u32 s0, $0xA;
	s2 =	sadd.s32 s3, s2  }
0x8d: {  	s2 =	sadd.s32 s2, s17  }
0x8e: {  	[smem:$0x3FC6] =	sst s2  }
0x8f: {  	_ = 	snop  }
0x90: {  	s2 =	sld [smem:$0x3FC9];
	(tm) =	ssettm $0x1  }
0x91: {  	s18 =	sld [smem:$0x3FFB];
	_ =	sdelay $0x3  }
0x92: {  	_ =	strace s18  }
0x93: {  	s3 =	sld [smem:$0x3FFC];
	_ =	sdelay $0x3  }
0x94: {  	_ =	strace s3  }
0x95: {  	s3 =	sld [smem:$0x3FFD];
	_ =	sdelay $0x3  }
0x96: {  	_ =	strace s3  }
0x97: {  	_ =	strace $0x8FFFFFFF  }
0x98: {  	s19 =	sld [smem:$0x3FDB];
	_ =	sdelay $0x1  }
0x99: {  	s4 =	simm.s32 $_scs_section_size  }
0x9a: {  	s5 =	simm.s32 $_size__tile_overlayer_lowered;
	s6 =	simm.s32 $_tile_overlayer_lowered  }
0x9b: {  	s22 =	simm.s32 $0x1BFF;
	s21 =	sshll.u32 s6, $0x1;
	s3 =	sadd.s32 s4, s19  }
0x9c: {  	s7 =	simm.s32 $0x0;
	s20 =	sshll.u32 s5, $0x1;
	s5 =	sadd.s32 s21, s3  }
0x9d: {  	[timem:s7], [sflag:s22] =	dma.local [hbm:s5], s20  }
0x9e: {  	_ =	swait.ge [sflag:s22], s20  }
0x9f: {  	s4 =	ssub.s32 $0x0, s20;
	[sflag:s22] =	ssyncset.done $0x0  }
0xa0: {  	[sflag:s22] =	ssyncadd.s32 s4;
	_ =	sdelay $0x1  }
0xa1: {  	s23 =	simm.s32 $0x1B8B  }
0xa2: {  	_ =	swait.ge [sflag:s23], $0x1  }
0xa3: {  	[sflag:s23] =	ssyncset.done $0x0  }
0xa4: {  	s25 =	simm.s32 $0x1B8E;
	s24 =	sld [smem:$0x3FFE];
	[sflag:s23] =	ssyncadd.s32 $0xFFFFFFFF  }
0xa5: {  	s26 =	simm.s32 $execute0_lowered;
	[smem:$0x3FD2] =	sst s25  }
0xa6: {  	s5 =	sshll.u32 s26, $0x1;
	_ =	strace $0x80000046;
	[dreg:$0x1] =	wrdreg $0xFFFFFFFF  }
0xa7: {  	s28 =	simm.s32 $_size_execute0_lowered;
	s3 =	sadd.s32 s3, s5;
	[dreg:$0x0] =	wrdreg $0x0  }
0xa8: {  	s5 =	sshll.u32 s28, $0x1;
	[dreg:$0x2] =	wrdreg s3  }
0xa9: {  	[dreg:$0x3] =	wrdreg s5  }
0xaa: {  	[dreg:$0x4] =	wrdreg $0xC0  }
0xab: {  	_ =	task [dreg:s7], $0x5FFFF  }
0xac: {  	[dreg:$0x1] =	wrdreg $0xFFFFFFFF  }
0xad: {  	[dreg:$0x0] =	wrdreg $0x60  }
0xae: {  	[dreg:$0x2] =	wrdreg s2  }
0xaf: {  	[dreg:$0x3] =	wrdreg s24  }
0xb0: {  	[dreg:$0x4] =	wrdreg $0x9  }
0xb1: {  	_ =	task.clear_ibuf [dreg:s7], $0x5FFFF;
	_ =	strace $0x90000046  }
0xb2: {  	s29 =	simm.s32 $0x9;
	_ =	strace $0x80000048  }
0xb3: {  	_ =	swait.ge [sflag:s29], $0x1  }
0xb4: {  	[sflag:s29] =	ssyncadd.s32 $0xFFFFFFFF  }
0xb5: {  	_ =	strace $0x90000048  }
0xb6: {  	_ =	sfence  }
0xb7: {  	s30 =	sld [smem:$0x0];
	_ =	sdelay $0x2  }
0xb8: {  	s31 =	sshll.u32 s1, $0xD;
	s1 =	sshrl.u32 s1, $0x2  }
0xb9: {  	s3 =	sand.u32 $0x4000, s31;
	s1 =	sadd.s32 s1, s30  }
0xba: {  	s0 =	sor.u32 s3, s0;
	s1 =	sshll.u32 s1, $0x11  }
0xbb: {  	s0 =	sor.u32 s1, s0  }
0xbc: {  	s0 =	sadd.s32 $0x8F2B, s0  }
0xbd: {  	[sflag:s0] =	ssyncadd.remote.s32 $0x1  }
0xbe: {  	_ =	sfence.sel $0xFFFF  }
0xbf: {  	[dreg:$0x0] =	wrdreg $0xFFFFFFFF;
	(pc) =	sbr.abs _section_cstart, $3  }
0xc0: {  	[dreg:$0x1] =	wrdreg $0xFFFFFFFF  }
0xc1: {  	_ =	task.clear_ibuf [dreg:s7], $0x2FFFF;
	_ =	strace $0x9FFFFFFF  }
0xc2: {  	(tm) =	ssettm $0x7FFFFFFF  }
0xc3: {  	_ =	shalt  }
tec
execute0_lowered:
.L_overlay_start_1:
0x0: {  	(tag) =	ssettag $0x1  }
0x1: {  	s2 =	rddreg [dreg:$0x0];
	s0 =	srdreg.scid  }
0x2: {  	s3 =	stileid.u32;
	s1 =	rddreg [dreg:$0x1];
	s12 =	simm.s32 $0x2  }
0x3: {  	s13 =	simm.s32 $0x7D00;
	s14 =	simm.s32 $0x8900;
	s15 =	simm.s32 $0x8D00  }
0x4: {  	s16 =	simm.s32 $0xC8;
	s17 =	simm.s32 $0x9100;
	s18 =	simm.s32 $0x1  }
0x5: {  	s19 =	simm.s32 $0xF500;
	s0 =	sand.u32 $0x1, s0;
	s4 =	sshll.u32 s3, $0x1  }
0x6: {  	s20 =	simm.s32 $0x15900;
	s21 =	simm.s32 $0x0;
	s4 =	sor.u32 s0, s4  }
0x7: {  	s3 =	simm.s32 $0x0;
	s5 =	sadd.s32 $0x3000, s1;
	s4 =	smul.u32 $0x3E8, s4  }
0x8: {  	s6 =	sadd.s32 $0x4000, s1;
	[smem:$0x7FF] =	sst s3;
	s0 =	ssub.s32 $0x2, s0  }
0x9: {  	_ =	strace $0x80000047;
	s8 =	sshrl.u32 s0, $0x1;
	s7 =	sshrl.u32 s4, $0x3  }
0xa: {  	s0 =	ssub.s32 s0, s8;
	s10 =	sadd.s32 $0x7D00, s4;
	s7 =	sadd.s32 s1, s7  }
0xb: {  	v0 =	vimm.s32 $0x0;
	v1 =	vlaneseq.u32;
	s11 =	smax.u32 s0, $0x1;
	s8 =	sadd.s32 $0x2000, s7;
	s9 =	sadd.s32 $0x1000, s7  }
.LBB2_1:
0xc: {  	[tilespmem:s3], [sflag:$0x2] =	stream.linear.gather [hbm4b:s5+s3], $0x7D00, $0x38;
	[tilespmem:$0x15A00] =	vst v63  }
0xd: {  	_ =	swait.ge [sflag:s12], $0x7D00  }
0xe: {  	[sflag:s12] =	ssyncset.done $0x0  }
0xf: {  	[sflag:s12] =	ssyncadd.s32 $0xFFFF8300  }
0x10: {  	[tilespmem:s13], [sflag:$0x2] =	stream.linear.gather [hbm4b:s8+s3], $0x3E8, $0x38;
	[tilespmem:$0x15A00] =	vst v63  }
0x11: {  	_ =	swait.ge [sflag:s12], $0x3E8  }
0x12: {  	[sflag:s12] =	ssyncset.done $0x0  }
0x13: {  	[sflag:s12] =	ssyncadd.s32 $0xFFFFFC18  }
0x14: {  	[tilespmem:s14], [sflag:$0x2] =	stream.linear.gather [hbm4b:s7+s3], $0x3E8, $0x38;
	[tilespmem:$0x15A00] =	vst v63  }
0x15: {  	_ =	swait.ge [sflag:s12], $0x3E8  }
0x16: {  	[sflag:s12] =	ssyncset.done $0x0  }
0x17: {  	[sflag:s12] =	ssyncadd.s32 $0xFFFFFC18  }
0x18: {  	[tilespmem:s15], [sflag:$0x2] =	stream.linear.gather [hbm4b:s9+s3], $0x3E8, $0x38;
	[tilespmem:$0x15A00] =	vst v63  }
0x19: {  	_ =	swait.ge [sflag:s12], $0x3E8  }
0x1a: {  	[sflag:s12] =	ssyncset.done $0x0  }
0x1b: {  	s22 =	simm.s32 $0x0;
	[sflag:s12] =	ssyncadd.s32 $0xFFFFFC18  }
.LBB2_2:
0x1c: {  	s0 =	sshll.u32 s22, $0x4  }
0x1d: {  	v4 =	vimm.s32 $0x0;
	v3 =	vimm.s32 $0x7D00;
	s23 =	smin.u32 s0, $0x3D8  }
0x1e: {  	v5 =	vadd.s32 v4, v3;
	s0 =	simm.s32 $0xF;
	v2 =	vld [tilespmem:s23+$0x7D00]  }
.LBB2_3:
0x1f: {  	p0 =	sne.s32 s0, $0x1;
	v6 =	vand.u32 $0x1, v5  }
0x20: {  	v7 =	vshrl.u32 v5, $0x1F;
	vm0 =	vlt.s32 v5, $0x1;
	vm1 =	veq.s32 v6, $0x1  }
0x21: {  	v5 =	vadd.s32 v7, v5;
	vm0 =	vmand vm0, vm1  }
0x22: {  	v5 =	vshra.s32 v5, $0x1;
	v6 =	vsel vm0, $0xFFFFFFFF, v0  }
0x23: {  	v5 =	vadd.s32 v6, v5;
	_ =	sdelay $0x4  }
0x24: {  	v6 =	vld.idx.msk [tilespmem:v5+s3+$0x0], $0xffff;
	_ =	sdelay $0x3  }
.Ltmp0:
0x25: {  	(pc) =	sbr.rel @p0 .LBB2_3-.Ltmp0, $4  }
0x26: {  	v7 =	vadd.s32 v2, v5  }
0x27: {  	vm0 =	vgt.s32 v6, v7;
	v6 =	vadd.s32 $0x1, v5  }
0x28: {  	v4 =	vsel vm0, v4, v6;
	v3 =	vsel vm0, v5, v3  }
0x29: {  	s0 =	sadd.s32 $0xFFFFFFFF, s0;
	v5 =	vadd.s32 v4, v3  }
0x2a: {  	v4 =	vand.u32 $0x1, v5  }
0x2b: {  	v6 =	vshrl.u32 v5, $0x1F;
	vm0 =	vlt.s32 v5, $0x1;
	vm1 =	veq.s32 v4, $0x1  }
0x2c: {  	v4 =	vadd.s32 v6, v5;
	vm0 =	vmand vm0, vm1  }
0x2d: {  	v4 =	vshra.s32 v4, $0x1;
	v5 =	vsel vm0, $0xFFFFFFFF, v0  }
0x2e: {  	v4 =	vadd.s32 v5, v4;
	_ =	sdelay $0x4  }
0x2f: {  	v5 =	vld.idx.msk [tilespmem:v4+s3+$0x0], $0xffff;
	_ =	sdelay $0x3  }
0x30: {  	v6 =	vadd.s32 v2, v4  }
0x31: {  	vm15 =	vgt.s32 v5, v6  }
0x32: {  	v5 =	vsel vm15, v4, v3;
	v3 =	vimm.s32 $0x0;
	v4 =	vimm.s32 $0x7CE  }
0x33: {  	s0 =	simm.s32 $0xA;
	v2 =	vadd.s32 v2, v5;
	v5 =	vadd.s32 v3, v4  }
.LBB2_5:
0x34: {  	p0 =	sne.s32 s0, $0x1;
	v6 =	vadd.s32 $0x1, v5;
	vm0 =	vlt.u32 v5, $0x7FFFFFFF  }
0x35: {  	v5 =	vsel vm0, $0x1, v0;
	v7 =	vshra.s32 v6, $0x1F  }
0x36: {  	v5 =	vadd.s32 v5, v7;
	v7 =	vand.u32 $0x1, v6  }
0x37: {  	v8 =	vshrl.u32 v6, $0x1F;
	vm0 =	vne.s32 v5, $0x1;
	vm1 =	veq.s32 v7, $0x1  }
0x38: {  	v5 =	vadd.s32 v8, v6;
	vm0 =	vmand vm0, vm1  }
0x39: {  	v5 =	vshra.s32 v5, $0x1;
	v6 =	vsel vm0, $0xFFFFFFFF, v0  }
0x3a: {  	v5 =	vadd.s32 v6, v5  }
0x3b: {  	v6 =	vadd.s32 $0xFFFFFFFF, v5  }
0x3c: {  	v7 =	vmul.u32 v5, v6;
	_ =	sdelay $0x1  }
0x3d: {  	v8 =	vshrl.u32 v7, $0x1F  }
0x3e: {  	v9 =	vmul.u32 $0x7CF, v5;
	v10 =	vand.u32 $0x1, v7;
	v8 =	vadd.s32 v8, v7  }
0x3f: {  	vm0 =	vlt.s32 v7, $0x1;
	vm1 =	veq.s32 v10, $0x1;
	v8 =	vshra.s32 v8, $0x1  }
0x40: {  	vm0 =	vmand vm0, vm1;
	v7 =	vsub.s32 $0x0, v8  }
.Ltmp1:
0x41: {  	v8 =	vsel vm0, $0x1, v0;
	v7 =	vadd.s32 v9, v7;
	(pc) =	sbr.rel @p0 .LBB2_5-.Ltmp1, $4  }
0x42: {  	v7 =	vadd.s32 v8, v7  }
0x43: {  	vm0 =	vgt.s32 v7, v2  }
0x44: {  	v3 =	vsel vm0, v3, v5;
	v4 =	vsel vm0, v6, v4  }
0x45: {  	s0 =	sadd.s32 $0xFFFFFFFF, s0;
	v5 =	vadd.s32 v3, v4  }
0x46: {  	v4 =	vadd.s32 $0x1, v5;
	vm0 =	vlt.u32 v5, $0x7FFFFFFF  }
0x47: {  	v5 =	vsel vm0, $0x1, v0;
	v6 =	vshra.s32 v4, $0x1F  }
0x48: {  	v53 =	vand.u32 $0x1, v4;
	v5 =	vadd.s32 v5, v6  }
0x49: {  	v7 =	vshrl.u32 v4, $0x1F;
	vm1 =	veq.s32 v53, $0x1;
	vm10 =	vne.s32 v5, $0x1  }
0x4a: {  	v4 =	vadd.s32 v7, v4;
	vm0 =	vmand vm10, vm1  }
0x4b: {  	v4 =	vshra.s32 v4, $0x1;
	v54 =	vsel vm0, $0xFFFFFFFF, v0  }
0x4c: {  	v4 =	vadd.s32 v54, v4  }
0x4d: {  	v5 =	vadd.s32 $0xFFFFFFFF, v4  }
0x4e: {  	v5 =	vmul.u32 v4, v5;
	_ =	sdelay $0x1  }
0x4f: {  	v55 =	vshrl.u32 v5, $0x1F  }
0x50: {  	v56 =	vmul.u32 $0x7CF, v4;
	v8 =	vand.u32 $0x1, v5;
	v6 =	vadd.s32 v55, v5  }
0x51: {  	vm11 =	vlt.s32 v5, $0x1;
	vm12 =	veq.s32 v8, $0x1;
	v6 =	vshra.s32 v6, $0x1  }
0x52: {  	vm0 =	vmand vm11, vm12;
	v57 =	vsub.s32 $0x0, v6  }
0x53: {  	v58 =	vsel vm0, $0x1, v0;
	v5 =	vadd.s32 v56, v57  }
0x54: {  	v5 =	vadd.s32 v58, v5  }
0x55: {  	vm13 =	vgt.s32 v5, v2  }
0x56: {  	v3 =	vsel vm13, v3, v4  }
0x57: {  	v4 =	vadd.s32 $0xFFFFFFFF, v3  }
0x58: {  	v4 =	vmul.u32 v3, v4  }
0x59: {  	v60 =	vmul.u32 $0xFFFFF831, v3  }
0x5a: {  	s22 =	sadd.s32 $0x1, s22;
	v2 =	vadd.s32 v3, v2;
	v59 =	vshrl.u32 v4, $0x1F;
	v61 =	vand.u32 $0x1, v4  }
0x5b: {  	p0 =	sne.s32 s22, $0x3F;
	vm14 =	vlt.s32 v4, $0x1;
	v5 =	vadd.s32 v59, v4;
	vm15 =	veq.s32 v61, $0x1  }
.Ltmp2:
0x5c: {  	v2 =	vadd.s32 v60, v2;
	v62 =	vshra.s32 v5, $0x1;
	vm0 =	vmand vm14, vm15;
	(pc) =	sbr.rel @p0 .LBB2_2-.Ltmp2, $4  }
0x5d: {  	v63 =	vsel vm0, $0xFFFFFFFF, v0;
	v2 =	vadd.s32 v62, v2  }
0x5e: {  	v2 =	vadd.s32 v63, v2  }
0x5f: {  	[tilespmem:s23+$0x8100] =	vst v3;
	v2 =	vadd.s32 $0x1, v2  }
0x60: {  	[tilespmem:s23+$0x8500] =	vst v2;
	s23 =	simm.s32 $0x0  }
.LBB2_7:
0x61: {  	s22 =	smul.u32 $0xC8, s23;
	_ =	sdelay $0x1  }
0x62: {  	s0 =	sadd.s32 $0x8900, s22  }
0x63: {  	[tilespmem:s17], [sflag:$0x1] =	stream.indirect.gather [hbm4b:s2+s16], $0x80, s0, s16, $0xb8;
	[tilespmem:$0x15A00] =	vst v63  }
0x64: {  	_ =	swait.ge [sflag:s18], $0x6400  }
0x65: {  	[sflag:s18] =	ssyncset.done $0x0  }
0x66: {  	s31 =	sadd.s32 $0x8D00, s22;
	[sflag:s18] =	ssyncadd.s32 $0xFFFF9C00  }
0x67: {  	[tilespmem:s19], [sflag:$0x1] =	stream.indirect.gather [hbm4b:s2+s16], $0x80, s31, s16, $0xb8;
	[tilespmem:$0x15A00] =	vst v63  }
0x68: {  	_ =	swait.ge [sflag:s18], $0x6400  }
0x69: {  	[sflag:s18] =	ssyncset.done $0x0  }
0x6a: {  	s24 =	simm.s32 $0x0;
	s25 =	simm.s32 $0x0;
	[sflag:s18] =	ssyncadd.s32 $0xFFFF9C00  }
.LBB2_8:
0x6b: {  	s0 =	smin.u32 s24, $0xB8  }
0x6c: {  	s0 =	sshll.u32 s0, $0x7  }
0x6d: {  	s1 =	sadd.s32 $0x9140, s0  }
0x6e: {  	s0 =	sadd.s32 $0xF540, s0;
	v2 =	vld [tilespmem:s1+$0xFFFFFFC0]  }
0x6f: {  	v3 =	vld [tilespmem:s0+$0xFFFFFFC0]  }
0x70: {  	v4 =	vld [tilespmem:s1+$0xFFFFFFD0]  }
0x71: {  	v5 =	vld [tilespmem:s0+$0xFFFFFFD0]  }
0x72: {  	v6 =	vld [tilespmem:s1+$0xFFFFFFE0]  }
0x73: {  	v7 =	vld [tilespmem:s0+$0xFFFFFFE0]  }
0x74: {  	v8 =	vld [tilespmem:s1+$0xFFFFFFF0]  }
0x75: {  	v9 =	vld [tilespmem:s0+$0xFFFFFFF0]  }
0x76: {  	v10 =	vld [tilespmem:s1+$0x0]  }
0x77: {  	v11 =	vld [tilespmem:s0+$0x0]  }
0x78: {  	v12 =	vld [tilespmem:s1+$0x10]  }
0x79: {  	v13 =	vld [tilespmem:s0+$0x10]  }
0x7a: {  	v14 =	vld [tilespmem:s1+$0x20]  }
0x7b: {  	v15 =	vld [tilespmem:s0+$0x20];
	v2 =	vmul.f32 v3, v2  }
0x7c: {  	v16 =	vld [tilespmem:s0+$0x30];
	s0 =	sadd.s32 $0x80, s0  }
0x7d: {  	v17 =	vld [tilespmem:s0+$0xFFFFFFC0];
	v4 =	vmul.f32 v5, v4;
	v2 =	vadd.f32 $0.0e+00, v2  }
0x7e: {  	v3 =	vld [tilespmem:s1+$0x30];
	s1 =	sadd.s32 $0x80, s1  }
0x7f: {  	v5 =	vld [tilespmem:s1+$0xFFFFFFC0];
	v2 =	vadd.f32 v4, v2;
	v4 =	vmul.f32 v7, v6  }
0x80: {  	v6 =	vld [tilespmem:s1+$0xFFFFFFD0]  }
0x81: {  	v7 =	vld [tilespmem:s0+$0xFFFFFFD0];
	v2 =	vadd.f32 v4, v2;
	v4 =	vmul.f32 v9, v8;
	_ =	sdelay $0x1  }
0x82: {  	v8 =	vld [tilespmem:s1+$0xFFFFFFE0];
	v2 =	vadd.f32 v4, v2;
	v4 =	vmul.f32 v11, v10  }
0x83: {  	v9 =	vld [tilespmem:s0+$0xFFFFFFE0];
	v5 =	vmul.f32 v17, v5  }
0x84: {  	v2 =	vadd.f32 v4, v2;
	v4 =	vmul.f32 v13, v12  }
0x85: {  	v5 =	vadd.f32 $0.0e+00, v5;
	v6 =	vmul.f32 v7, v6  }
0x86: {  	v2 =	vadd.f32 v4, v2;
	v4 =	vmul.f32 v15, v14  }
0x87: {  	v5 =	vadd.f32 v6, v5  }
0x88: {  	v6 =	vmul.f32 v9, v8;
	v8 =	vmul.f32 v16, v3;
	v2 =	vadd.f32 v4, v2;
	_ =	sdelay $0x1  }
0x89: {  	v10 =	vld [tilespmem:s1+$0xFFFFFFF0];
	v2 =	vadd.f32 v8, v2  }
0x8a: {  	v11 =	vld [tilespmem:s0+$0xFFFFFFF0]  }
0x8b: {  	v62 =	vld [tilespmem:s1+$0x0];
	(xrf2) =	vadd.scan.msk.f32 $0xffff, v2  }
0x8c: {  	v7 =	vld [tilespmem:s0+$0x0]  }
0x8d: {  	v63 =	vld [tilespmem:s1+$0x10]  }
0x8e: {  	v9 =	vld [tilespmem:s0+$0x10]  }
0x8f: {  	v5 =	vadd.f32 v6, v5;
	v10 =	vmul.f32 v11, v10;
	v6 =	vld [tilespmem:s0+$0x20]  }
0x90: {  	v4 =	vld [tilespmem:s1+$0x20]  }
0x91: {  	v3 =	vld [tilespmem:s1+$0x30];
	v8 =	vadd.f32 v10, v5;
	v10 =	vmul.f32 v7, v62  }
0x92: {  	s26 =	sshll.u32 s25, $0x4;
	s31 =	sadd.s32 $0x80, s1;
	v5 =	vld [tilespmem:s0+$0x30]  }
0x93: {  	s30 =	simm.s32 $0x0;
	s29 =	simm.s32 $0x1;
	s1 =	sadd.s32 $0x80, s0;
	v7 =	vld [tilespmem:s31+$0xFFFFFFC0];
	v9 =	vmul.f32 v9, v63;
	v8 =	vadd.f32 v10, v8  }
0x94: {  	s28 =	simm.s32 $0x2;
	s26 =	smin.u32 s26, $0xB8;
	s0 =	simm.s32 $0x3;
	v2 =	vimm.f32 $0.0e+00;
	v10 =	vld [tilespmem:s1+$0xFFFFFFC0]  }
.LBB2_9:
0x95: {  	p0 =	sne.s32 s0, $0xF;
	v11 =	vld [tilespmem:s31+$0xFFFFFFD0];
	v8 =	vadd.f32 v9, v8;
	v4 =	vmul.f32 v6, v4;
	v6, _, _ =	vpop (xrf2)  }
0x96: {  	v12 =	vmov s30;
	s30 =	smov.u32 s29;
	s29 =	smov.u32 s28;
	s28 =	smov.u32 s0;
	v9 =	vld [tilespmem:s1+$0xFFFFFFD0];
	v6 =	vbroadcast v6, $0xF  }
0x97: {  	vm0 =	veq.s32 v12, v1;
	v13 =	vld [tilespmem:s31+$0xFFFFFFE0];
	v4 =	vadd.f32 v4, v8;
	v3 =	vmul.f32 v5, v3  }
0x98: {  	v5 =	vld [tilespmem:s1+$0xFFFFFFE0];
	v2 =	vsel vm0, v6, v2  }
0x99: {  	v6 =	vmul.f32 v10, v7;
	v7 =	vld [tilespmem:s31+$0xFFFFFFF0];
	v3 =	vadd.f32 v3, v4  }
0x9a: {  	v4 =	vld [tilespmem:s1+$0xFFFFFFF0]  }
0x9b: {  	v6 =	vadd.f32 $0.0e+00, v6;
	v8 =	vmul.f32 v9, v11;
	v9 =	vld [tilespmem:s31+$0x0];
	(xrf2) =	vadd.scan.msk.f32 $0xffff, v3  }
0x9c: {  	v3 =	vld [tilespmem:s1+$0x0]  }
0x9d: {  	v6 =	vadd.f32 v8, v6;
	v5 =	vmul.f32 v5, v13;
	v10 =	vld [tilespmem:s31+$0x10]  }
0x9e: {  	v11 =	vld [tilespmem:s1+$0x10]  }
0x9f: {  	v5 =	vadd.f32 v5, v6;
	v7 =	vmul.f32 v4, v7;
	v4 =	vld [tilespmem:s31+$0x20]  }
.Ltmp3:
0xa0: {  	v6 =	vld [tilespmem:s1+$0x20];
	(pc) =	sbr.rel @p0 .LBB2_9-.Ltmp3, $4  }
0xa1: {  	v8 =	vadd.f32 v7, v5;
	v9 =	vmul.f32 v3, v9;
	v3 =	vld [tilespmem:s31+$0x30]  }
0xa2: {  	s31 =	sadd.s32 $0x80, s31;
	v5 =	vld [tilespmem:s1+$0x30]  }
0xa3: {  	s1 =	sadd.s32 $0x80, s1;
	v7 =	vld [tilespmem:s31+$0xFFFFFFC0];
	v8 =	vadd.f32 v9, v8;
	v9 =	vmul.f32 v11, v10  }
0xa4: {  	s0 =	sadd.s32 $0x1, s0;
	v10 =	vld [tilespmem:s1+$0xFFFFFFC0]  }
0xa5: {  	v11 =	vld [tilespmem:s31+$0xFFFFFFD0]  }
0xa6: {  	v12 =	vld [tilespmem:s1+$0xFFFFFFD0]  }
0xa7: {  	v13 =	vld [tilespmem:s31+$0xFFFFFFE0]  }
0xa8: {  	v14 =	vld [tilespmem:s1+$0xFFFFFFE0]  }
0xa9: {  	v44 =	vld [tilespmem:s31+$0xFFFFFFF0];
	v7 =	vmul.f32 v10, v7  }
0xaa: {  	v15 =	vld [tilespmem:s1+$0xFFFFFFF0]  }
0xab: {  	v45 =	vld [tilespmem:s31+$0x0];
	v11 =	vmul.f32 v12, v11;
	v7 =	vadd.f32 $0.0e+00, v7  }
0xac: {  	v16 =	vld [tilespmem:s1+$0x0]  }
0xad: {  	v47 =	vld [tilespmem:s31+$0x10];
	v46 =	vmul.f32 v14, v13;
	v7 =	vadd.f32 v11, v7  }
0xae: {  	v48 =	vld [tilespmem:s1+$0x10]  }
0xaf: {  	v49 =	vld [tilespmem:s31+$0x20];
	v10 =	vmul.f32 v15, v44;
	v7 =	vadd.f32 v46, v7  }
0xb0: {  	v50 =	vld [tilespmem:s1+$0x20]  }
0xb1: {  	v52 =	vld [tilespmem:s31+$0x30];
	v51 =	vmul.f32 v16, v45;
	v7 =	vadd.f32 v10, v7  }
0xb2: {  	v53 =	vld [tilespmem:s1+$0x30]  }
0xb3: {  	v54 =	vmul.f32 v48, v47;
	v7 =	vadd.f32 v51, v7  }
0xb4: {  	v8 =	vadd.f32 v9, v8;
	v4 =	vmul.f32 v6, v4  }
0xb5: {  	v56 =	vmul.f32 v50, v49;
	v55 =	vadd.f32 v54, v7  }
0xb6: {  	v4 =	vadd.f32 v4, v8;
	v3 =	vmul.f32 v5, v3  }
0xb7: {  	v58 =	vmul.f32 v53, v52;
	v57 =	vadd.f32 v56, v55  }
0xb8: {  	v3 =	vadd.f32 v3, v4  }
0xb9: {  	v59 =	vadd.f32 v58, v57  }
0xba: {  	(xrf2) =	vadd.scan.msk.f32 $0xffff, v3  }
0xbb: {  	(xrf2) =	vadd.scan.msk.f32 $0xffff, v59;
	_ =	sdelay $0x6  }
0xbc: {  	v3, _, _ =	vpop (xrf2)  }
0xbd: {  	v60 =	vmov s30;
	s25 =	sadd.s32 $0x1, s25;
	v3 =	vbroadcast v3, $0xF  }
0xbe: {  	vm0 =	veq.s32 v60, v1;
	p0 =	sne.s32 s25, $0xD;
	v61, _, _ =	vpop (xrf2)  }
.Ltmp4:
0xbf: {  	v2 =	vsel vm0, v3, v2;
	v3 =	vmov s29;
	v62 =	vbroadcast v61, $0xF;
	v63, _, _ =	vpop (xrf2);
	(pc) =	sbr.rel @p0 .LBB2_8-.Ltmp4, $4  }
0xc0: {  	vm14 =	veq.s32 v3, v1;
	v3 =	vmov s28;
	v5 =	vbroadcast v63, $0xF  }
0xc1: {  	vm15 =	veq.s32 v3, v1;
	v2 =	vsel vm14, v62, v2  }
0xc2: {  	v2 =	vsel vm15, v5, v2  }
0xc3: {  	s24 =	sadd.s32 $0x10, s24;
	[tilespmem:s26+$0x15900] =	vst v2  }
0xc4: {  	s0 =	sadd.s32 s4, s22;
	s23 =	sadd.s32 $0x1, s23  }
0xc5: {  	s0 =	sshrl.u32 s0, $0x3;
	p0 =	sne.s32 s23, $0x5  }
.Ltmp5:
0xc6: {  	s22 =	simm.s32 $0x0;
	s0 =	sadd.s32 s6, s0;
	(pc) =	sbr.rel @p0 .LBB2_7-.Ltmp5, $4  }
0xc7: {  	[hbm4b:s0+s22] =	stream.linear.scatter [tilespmem:s20], [sflag:$0x2], $0xC8, $0x38;
	[tilespmem:$0x15A00] =	vst v63  }
0xc8: {  	_ =	swait.ge [sflag:s12], $0xC8  }
0xc9: {  	[sflag:s12] =	ssyncset.done $0x0  }
0xca: {  	[sflag:s12] =	ssyncadd.s32 $0xFFFFFF38  }
.LBB2_12:
0xcb: {  	s23 =	smul.u32 $0xC8, s22;
	_ =	sdelay $0x1  }
0xcc: {  	s0 =	sadd.s32 $0x8100, s23  }
0xcd: {  	[tilespmem:s17], [sflag:$0x1] =	stream.indirect.gather [hbm4b:s2+s16], $0x80, s0, s16, $0xb8;
	[tilespmem:$0x15A00] =	vst v63  }
0xce: {  	_ =	swait.ge [sflag:s18], $0x6400  }
0xcf: {  	[sflag:s18] =	ssyncset.done $0x0  }
0xd0: {  	s31 =	sadd.s32 $0x8500, s23;
	[sflag:s18] =	ssyncadd.s32 $0xFFFF9C00  }
0xd1: {  	[tilespmem:s19], [sflag:$0x1] =	stream.indirect.gather [hbm4b:s2+s16], $0x80, s31, s16, $0xb8;
	[tilespmem:$0x15A00] =	vst v63  }
0xd2: {  	_ =	swait.ge [sflag:s18], $0x6400  }
0xd3: {  	[sflag:s18] =	ssyncset.done $0x0  }
0xd4: {  	s24 =	simm.s32 $0x0;
	s25 =	simm.s32 $0x0;
	[sflag:s18] =	ssyncadd.s32 $0xFFFF9C00  }
.LBB2_13:
0xd5: {  	s0 =	smin.u32 s24, $0xB8  }
0xd6: {  	s0 =	sshll.u32 s0, $0x7  }
0xd7: {  	s1 =	sadd.s32 $0x9140, s0  }
0xd8: {  	s0 =	sadd.s32 $0xF540, s0;
	v2 =	vld [tilespmem:s1+$0xFFFFFFC0]  }
0xd9: {  	v3 =	vld [tilespmem:s0+$0xFFFFFFC0]  }
0xda: {  	v4 =	vld [tilespmem:s1+$0xFFFFFFD0]  }
0xdb: {  	v5 =	vld [tilespmem:s0+$0xFFFFFFD0]  }
0xdc: {  	v6 =	vld [tilespmem:s1+$0xFFFFFFE0]  }
0xdd: {  	v7 =	vld [tilespmem:s0+$0xFFFFFFE0]  }
0xde: {  	v8 =	vld [tilespmem:s1+$0xFFFFFFF0]  }
0xdf: {  	v9 =	vld [tilespmem:s0+$0xFFFFFFF0]  }
0xe0: {  	v10 =	vld [tilespmem:s1+$0x0]  }
0xe1: {  	v11 =	vld [tilespmem:s0+$0x0]  }
0xe2: {  	v12 =	vld [tilespmem:s1+$0x10]  }
0xe3: {  	v13 =	vld [tilespmem:s0+$0x10]  }
0xe4: {  	v14 =	vld [tilespmem:s1+$0x20]  }
0xe5: {  	v15 =	vld [tilespmem:s0+$0x20];
	v2 =	vmul.f32 v3, v2  }
0xe6: {  	v16 =	vld [tilespmem:s0+$0x30];
	s0 =	sadd.s32 $0x80, s0  }
0xe7: {  	v17 =	vld [tilespmem:s0+$0xFFFFFFC0];
	v4 =	vmul.f32 v5, v4;
	v2 =	vadd.f32 $0.0e+00, v2  }
0xe8: {  	v3 =	vld [tilespmem:s1+$0x30];
	s1 =	sadd.s32 $0x80, s1  }
0xe9: {  	v5 =	vld [tilespmem:s1+$0xFFFFFFC0];
	v2 =	vadd.f32 v4, v2;
	v4 =	vmul.f32 v7, v6  }
0xea: {  	v6 =	vld [tilespmem:s1+$0xFFFFFFD0]  }
0xeb: {  	v7 =	vld [tilespmem:s0+$0xFFFFFFD0];
	v2 =	vadd.f32 v4, v2;
	v4 =	vmul.f32 v9, v8;
	_ =	sdelay $0x1  }
0xec: {  	v8 =	vld [tilespmem:s1+$0xFFFFFFE0];
	v2 =	vadd.f32 v4, v2;
	v4 =	vmul.f32 v11, v10  }
0xed: {  	v9 =	vld [tilespmem:s0+$0xFFFFFFE0];
	v5 =	vmul.f32 v17, v5  }
0xee: {  	v2 =	vadd.f32 v4, v2;
	v4 =	vmul.f32 v13, v12  }
0xef: {  	v5 =	vadd.f32 $0.0e+00, v5;
	v6 =	vmul.f32 v7, v6  }
0xf0: {  	v2 =	vadd.f32 v4, v2;
	v4 =	vmul.f32 v15, v14  }
0xf1: {  	v5 =	vadd.f32 v6, v5  }
0xf2: {  	v6 =	vmul.f32 v9, v8;
	v8 =	vmul.f32 v16, v3;
	v2 =	vadd.f32 v4, v2;
	_ =	sdelay $0x1  }
0xf3: {  	v10 =	vld [tilespmem:s1+$0xFFFFFFF0];
	v2 =	vadd.f32 v8, v2  }
0xf4: {  	v11 =	vld [tilespmem:s0+$0xFFFFFFF0]  }
0xf5: {  	v62 =	vld [tilespmem:s1+$0x0];
	(xrf2) =	vadd.scan.msk.f32 $0xffff, v2  }
0xf6: {  	v7 =	vld [tilespmem:s0+$0x0]  }
0xf7: {  	v63 =	vld [tilespmem:s1+$0x10]  }
0xf8: {  	v9 =	vld [tilespmem:s0+$0x10]  }
0xf9: {  	v5 =	vadd.f32 v6, v5;
	v10 =	vmul.f32 v11, v10;
	v6 =	vld [tilespmem:s0+$0x20]  }
0xfa: {  	v4 =	vld [tilespmem:s1+$0x20]  }
0xfb: {  	v3 =	vld [tilespmem:s1+$0x30];
	v8 =	vadd.f32 v10, v5;
	v10 =	vmul.f32 v7, v62  }
0xfc: {  	s26 =	sshll.u32 s25, $0x4;
	s31 =	sadd.s32 $0x80, s1;
	v5 =	vld [tilespmem:s0+$0x30]  }
0xfd: {  	s30 =	simm.s32 $0x0;
	s29 =	simm.s32 $0x1;
	s1 =	sadd.s32 $0x80, s0;
	v7 =	vld [tilespmem:s31+$0xFFFFFFC0];
	v9 =	vmul.f32 v9, v63;
	v8 =	vadd.f32 v10, v8  }
0xfe: {  	s28 =	simm.s32 $0x2;
	s26 =	smin.u32 s26, $0xB8;
	s0 =	simm.s32 $0x3;
	v2 =	vimm.f32 $0.0e+00;
	v10 =	vld [tilespmem:s1+$0xFFFFFFC0]  }
.LBB2_14:
0xff: {  	p0 =	sne.s32 s0, $0xF;
	v11 =	vld [tilespmem:s31+$0xFFFFFFD0];
	v8 =	vadd.f32 v9, v8;
	v4 =	vmul.f32 v6, v4;
	v6, _, _ =	vpop (xrf2)  }
0x100: {  	v12 =	vmov s30;
	s30 =	smov.u32 s29;
	s29 =	smov.u32 s28;
	s28 =	smov.u32 s0;
	v9 =	vld [tilespmem:s1+$0xFFFFFFD0];
	v6 =	vbroadcast v6, $0xF  }
0x101: {  	vm0 =	veq.s32 v12, v1;
	v13 =	vld [tilespmem:s31+$0xFFFFFFE0];
	v4 =	vadd.f32 v4, v8;
	v3 =	vmul.f32 v5, v3  }
0x102: {  	v5 =	vld [tilespmem:s1+$0xFFFFFFE0];
	v2 =	vsel vm0, v6, v2  }
0x103: {  	v6 =	vmul.f32 v10, v7;
	v7 =	vld [tilespmem:s31+$0xFFFFFFF0];
	v3 =	vadd.f32 v3, v4  }
0x104: {  	v4 =	vld [tilespmem:s1+$0xFFFFFFF0]  }
0x105: {  	v6 =	vadd.f32 $0.0e+00, v6;
	v8 =	vmul.f32 v9, v11;
	v9 =	vld [tilespmem:s31+$0x0];
	(xrf2) =	vadd.scan.msk.f32 $0xffff, v3  }
0x106: {  	v3 =	vld [tilespmem:s1+$0x0]  }
0x107: {  	v6 =	vadd.f32 v8, v6;
	v5 =	vmul.f32 v5, v13;
	v10 =	vld [tilespmem:s31+$0x10]  }
0x108: {  	v11 =	vld [tilespmem:s1+$0x10]  }
0x109: {  	v5 =	vadd.f32 v5, v6;
	v7 =	vmul.f32 v4, v7;
	v4 =	vld [tilespmem:s31+$0x20]  }
.Ltmp6:
0x10a: {  	v6 =	vld [tilespmem:s1+$0x20];
	(pc) =	sbr.rel @p0 .LBB2_14-.Ltmp6, $4  }
0x10b: {  	v8 =	vadd.f32 v7, v5;
	v9 =	vmul.f32 v3, v9;
	v3 =	vld [tilespmem:s31+$0x30]  }
0x10c: {  	s31 =	sadd.s32 $0x80, s31;
	v5 =	vld [tilespmem:s1+$0x30]  }
0x10d: {  	s1 =	sadd.s32 $0x80, s1;
	v7 =	vld [tilespmem:s31+$0xFFFFFFC0];
	v8 =	vadd.f32 v9, v8;
	v9 =	vmul.f32 v11, v10  }
0x10e: {  	s0 =	sadd.s32 $0x1, s0;
	v10 =	vld [tilespmem:s1+$0xFFFFFFC0]  }
0x10f: {  	v11 =	vld [tilespmem:s31+$0xFFFFFFD0]  }
0x110: {  	v12 =	vld [tilespmem:s1+$0xFFFFFFD0]  }
0x111: {  	v13 =	vld [tilespmem:s31+$0xFFFFFFE0]  }
0x112: {  	v14 =	vld [tilespmem:s1+$0xFFFFFFE0]  }
0x113: {  	v44 =	vld [tilespmem:s31+$0xFFFFFFF0];
	v7 =	vmul.f32 v10, v7  }
0x114: {  	v15 =	vld [tilespmem:s1+$0xFFFFFFF0]  }
0x115: {  	v45 =	vld [tilespmem:s31+$0x0];
	v11 =	vmul.f32 v12, v11;
	v7 =	vadd.f32 $0.0e+00, v7  }
0x116: {  	v16 =	vld [tilespmem:s1+$0x0]  }
0x117: {  	v47 =	vld [tilespmem:s31+$0x10];
	v46 =	vmul.f32 v14, v13;
	v7 =	vadd.f32 v11, v7  }
0x118: {  	v48 =	vld [tilespmem:s1+$0x10]  }
0x119: {  	v49 =	vld [tilespmem:s31+$0x20];
	v10 =	vmul.f32 v15, v44;
	v7 =	vadd.f32 v46, v7  }
0x11a: {  	v50 =	vld [tilespmem:s1+$0x20]  }
0x11b: {  	v52 =	vld [tilespmem:s31+$0x30];
	v51 =	vmul.f32 v16, v45;
	v7 =	vadd.f32 v10, v7  }
0x11c: {  	v53 =	vld [tilespmem:s1+$0x30]  }
0x11d: {  	v54 =	vmul.f32 v48, v47;
	v7 =	vadd.f32 v51, v7  }
0x11e: {  	v8 =	vadd.f32 v9, v8;
	v4 =	vmul.f32 v6, v4  }
0x11f: {  	v56 =	vmul.f32 v50, v49;
	v55 =	vadd.f32 v54, v7  }
0x120: {  	v4 =	vadd.f32 v4, v8;
	v3 =	vmul.f32 v5, v3  }
0x121: {  	v58 =	vmul.f32 v53, v52;
	v57 =	vadd.f32 v56, v55  }
0x122: {  	v3 =	vadd.f32 v3, v4  }
0x123: {  	v59 =	vadd.f32 v58, v57  }
0x124: {  	(xrf2) =	vadd.scan.msk.f32 $0xffff, v3  }
0x125: {  	(xrf2) =	vadd.scan.msk.f32 $0xffff, v59;
	_ =	sdelay $0x6  }
0x126: {  	v3, _, _ =	vpop (xrf2)  }
0x127: {  	v60 =	vmov s30;
	s25 =	sadd.s32 $0x1, s25;
	v3 =	vbroadcast v3, $0xF  }
0x128: {  	vm0 =	veq.s32 v60, v1;
	p0 =	sne.s32 s25, $0xD;
	v61, _, _ =	vpop (xrf2)  }
.Ltmp7:
0x129: {  	v2 =	vsel vm0, v3, v2;
	v3 =	vmov s29;
	v62 =	vbroadcast v61, $0xF;
	v63, _, _ =	vpop (xrf2);
	(pc) =	sbr.rel @p0 .LBB2_13-.Ltmp7, $4  }
0x12a: {  	vm14 =	veq.s32 v3, v1;
	v3 =	vmov s28;
	v5 =	vbroadcast v63, $0xF  }
0x12b: {  	vm15 =	veq.s32 v3, v1;
	v2 =	vsel vm14, v62, v2  }
0x12c: {  	v2 =	vsel vm15, v5, v2  }
0x12d: {  	s24 =	sadd.s32 $0x10, s24;
	[tilespmem:s26+$0x15900] =	vst v2  }
0x12e: {  	s0 =	sadd.s32 s23, s10;
	s22 =	sadd.s32 $0x1, s22  }
0x12f: {  	s0 =	sshrl.u32 s0, $0x3;
	p0 =	sne.s32 s22, $0x5  }
.Ltmp8:
0x130: {  	s0 =	sadd.s32 s6, s0;
	(pc) =	sbr.rel @p0 .LBB2_12-.Ltmp8, $4  }
0x131: {  	[hbm4b:s0+s3] =	stream.linear.scatter [tilespmem:s20], [sflag:$0x2], $0xC8, $0x38;
	[tilespmem:$0x15A00] =	vst v63  }
0x132: {  	_ =	swait.ge [sflag:s12], $0xC8  }
0x133: {  	[sflag:s12] =	ssyncset.done $0x0  }
0x134: {  	[sflag:s12] =	ssyncadd.s32 $0xFFFFFF38  }
0x135: {  	s21 =	sadd.s32 $0x1, s21  }
0x136: {  	p0 =	sne.s32 s21, s11  }
.Ltmp9:
0x137: {  	_ = 	snop;
	(pc) =	sbr.rel @p0 .LBB2_1-.Ltmp9, $1  }
0x138: {  	_ =	sdelay $0x3  }
0x139: {  	_ =	sfence.sel $0x180000  }
0x13a: {  	[bflag:$0x0] =	sbarrier.arrive $0xFFFF  }
0x13b: {  	_ =	strace $0x90000047  }
0x13c: {  	s0 =	stileid.u32;
	[bflag:$0x2] =	sbarrier.arrive $0xFFFF  }
0x13d: {  	p0 =	sne.s32 s0, $0x0;
	s0 =	rddreg [dreg:$0x2]  }
0x13e: {  	s0 =	sadd.s32 @!p0 $0x100000, s0  }
0x13f: {  	[sflag:s0] =	ssyncadd.tile.s32 @!p0 $0x1;
	_ =	shalt  }
.Lfunc_end2:
_tile_overlayer_lowered:
.L_overlay_start_2:
0x140: {  	(tag) =	ssettag $0x2  }
0x141: {  	s0 =	rddreg [dreg:$0x0];
	s2 =	stileid.u32  }
0x142: {  	s1 =	rddreg [dreg:$0x1];
	p0 =	sne.s32 s2, $0x0  }
0x143: {  	s3 =	rddreg [dreg:$0x2];
	[bflag:$0x3] =	sbarrier.arrive $0xFFFF;
	s2 =	simm.s32 @!p0 $0x1C02  }
0x144: {  	[timem:s3], [sflag:s2] =	dma.local @!p0 [hbm:s0], s1  }
0x145: {  	s0 =	simm.s32 @!p0 $0x2  }
0x146: {  	_ =	swait.ge @!p0 [sflag:s0], s1  }
0x147: {  	s1 =	ssub.s32 @!p0 $0x0, s1;
	[sflag:s0] =	ssyncset.done @!p0 $0x0  }
0x148: {  	[sflag:s0] =	ssyncadd.s32 @!p0 s1  }
0x149: {  	[bflag:$0x3] =	sbarrier.arrive $0xFFFF  }
0x14a: {  	_ =	shalt  }

</sc_bundles>
